<compile_context>
chip_gen: v7x
topology: tpu7x:2x2x1
jax: 0.10.2.dev20260603
libtpu: 0.0.44.dev20260713+nightly
codegen_flags: <defaults>
</compile_context>

<pallas_src>
import functools

import jax
import jax.numpy as jnp
from jax import lax
from jax.experimental import pallas as pl
from jax.experimental.pallas import tpu as pltpu
from jax.experimental.pallas import tpu_sc as plsc

B = 16384
EMB = 256
HID = 512
D_STUDIO = EMB
D_STUDIO_PK = EMB // 2
D_DIST = EMB // 2
D_DIST_PK = EMB // 4
D_PROD = EMB // 2
D_PROD_PK = EMB // 4
D_TYPE = EMB // 4
N_TYPE_PAD = 16
GCOL = 128

NC = 2
NS = 16
NW = NC * NS
CHUNK = 64
NSPLIT = 1

_ODIMS = (D_STUDIO_PK, D_DIST, D_PROD)


def _sc_gather_all(nb, studio_ids, dist_ids, prod_ids,
                   studio_t, dist_t, prod_t):
    b_per_w = nb // NW
    n_chunks = b_per_w // CHUNK
    mesh = plsc.VectorSubcoreMesh(core_axis_name="c", subcore_axis_name="s")

    @functools.partial(
        pl.kernel,
        mesh=mesh,
        out_type=[
            jax.ShapeDtypeStruct((nb, d), jnp.float32) for d in _ODIMS
        ],
        scratch_types=(
            [pltpu.VMEM((b_per_w,), jnp.int32) for _ in range(3)]
            + [pltpu.VMEM((CHUNK, GCOL), jnp.float32) for _ in range(6)]
            + [pltpu.SemaphoreType.DMA for _ in range(7)]
        ),
    )
    def k(sid_hbm, did_hbm, pid_hbm,
          st_hbm, dt_hbm, pt_hbm,
          out_s, out_d, out_p,
          idx_s, idx_d, idx_p,
          s0, s1, d0, d1, p0, p1,
          isem, gs, gd, gp, ws, wd, wp):
        N_CHUNKS = n_chunks
        wid = lax.axis_index("s") * NC + lax.axis_index("c")
        wbase = wid * b_per_w
        wsl = pl.ds(wbase, b_per_w)

        i1 = pltpu.async_copy(sid_hbm.at[wsl], idx_s, isem)
        i2 = pltpu.async_copy(did_hbm.at[wsl], idx_d, isem)
        i3 = pltpu.async_copy(pid_hbm.at[wsl], idx_p, isem)
        i1.wait(); i2.wait(); i3.wait()

        tabs = [
            (st_hbm, idx_s, (s0, s1), out_s, gs, ws),
            (dt_hbm, idx_d, (d0, d1), out_d, gd, wd),
            (pt_hbm, idx_p, (p0, p1), out_p, gp, wp),
        ]

        def issue_gathers(i, b):
            for tbl, idx, bufs, _, gsem, _w in tabs:
                pltpu.async_copy(tbl.at[idx.at[pl.ds(i * CHUNK, CHUNK)]],
                                 bufs[b], gsem)

        issue_gathers(0, 0)

        @pl.loop(0, N_CHUNKS, step=2)
        def _(it):
            for b in (0, 1):
                i = it + b
                osl_prev = pl.ds(wbase + (i - 1) * CHUNK, CHUNK)
                osl = pl.ds(wbase + i * CHUNK, CHUNK)

                @pl.when(i >= 1)
                def _():
                    for _t, _i, bufs, out, _g, wsem in tabs:
                        pltpu.make_async_copy(
                            bufs[1 - b], out.at[osl_prev], wsem).wait()

                for tbl, idx, bufs, _o, gsem, _w in tabs:
                    pltpu.make_async_copy(
                        tbl.at[idx.at[pl.ds(i * CHUNK, CHUNK)]],
                        bufs[b], gsem).wait()

                @pl.when(i + 1 < N_CHUNKS)
                def _():
                    issue_gathers(i + 1, 1 - b)

                for _t, _i, bufs, out, _g, wsem in tabs:
                    pltpu.async_copy(bufs[b], out.at[osl], wsem)

        last = pl.ds(wbase + (N_CHUNKS - 1) * CHUNK, CHUNK)
        for _t, _i, bufs, out, _g, wsem in tabs:
            pltpu.make_async_copy(bufs[(N_CHUNKS - 1) % 2],
                                  out.at[last], wsem).wait()

    return k(studio_ids, dist_ids, prod_ids, studio_t, dist_t, prod_t)


BM = 2048


def _mlp_body(char_ref, s_ref, d_ref, p_ref, oh_ref,
              cW1_ref, cb1_ref, cW2_ref, cb2_ref, tt_ref,
              fW1_ref, fb1_ref, fW2_ref, fb2_ref, out_ref):
    f32 = jnp.float32
    bf16 = jnp.bfloat16
    dot = lambda a, b: lax.dot_general(a, b, (((1,), (0,)), ((), ())),
                                       preferred_element_type=f32)
    gelu = lambda x: x * (0.5 * (1.0 + lax.erf(x * 0.7071067811865476)))
    h = gelu(dot(char_ref[...], cW1_ref[...].astype(bf16)) + cb1_ref[...])
    char_emb = (dot(h.astype(bf16), cW2_ref[...].astype(bf16))
                + cb2_ref[...]).astype(bf16)
    type_emb = dot(oh_ref[...], tt_ref[...].astype(bf16)).astype(bf16)
    def unpack(ref):
        u = lax.bitcast_convert_type(ref[...], jnp.int32)
        ev = lax.bitcast_convert_type(
            lax.shift_left(u, 16), f32).astype(bf16)
        od = lax.bitcast_convert_type(
            jnp.bitwise_and(u, jnp.int32(-65536)), f32).astype(bf16)
        return ev, od

    s_ev, s_od = unpack(s_ref)
    combined = jnp.concatenate(
        [s_ev, s_od, d_ref[...].astype(bf16), p_ref[...].astype(bf16),
         char_emb, type_emb], axis=-1)
    h2 = gelu(dot(combined, fW1_ref[...].astype(bf16)) + fb1_ref[...])
    out_ref[...] = dot(h2.astype(bf16), fW2_ref[...].astype(bf16)) + fb2_ref[...]


def _tc_mlp(nb, characteristics, s_emb, d_emb, p_emb, type_onehot,
            cW1, cb1, cW2, cb2, type_table_p,
            fW1, fb1, fW2, fb2):
    grid = (nb // BM,)
    row_spec = lambda d: pl.BlockSpec((BM, d), lambda i: (i, 0))
    full_spec = lambda a: pl.BlockSpec(a.shape, lambda i: (0, 0))
    return pl.pallas_call(
        _mlp_body,
        grid=grid,
        in_specs=[
            row_spec(16), row_spec(D_STUDIO_PK), row_spec(D_DIST),
            row_spec(D_PROD), row_spec(N_TYPE_PAD),
            full_spec(cW1), full_spec(cb1), full_spec(cW2), full_spec(cb2),
            full_spec(type_table_p),
            full_spec(fW1), full_spec(fb1), full_spec(fW2), full_spec(fb2),
        ],
        out_specs=row_spec(HID),
        out_shape=jax.ShapeDtypeStruct((nb, HID), jnp.float32),
    )(characteristics, s_emb, d_emb, p_emb, type_onehot,
      cW1, cb1, cW2, cb2, type_table_p,
      fW1, fb1, fW2, fb2)


def kernel(studio_ids, distributor_ids, prod_company_ids, characteristics,
           studio_types, studio_table, dist_table, prod_table, type_table,
           char_W1, char_b1, char_W2, char_b2,
           fus_W1, fus_b1, fus_W2, fus_b2):
    bf16 = jnp.bfloat16
    type_table_p = jnp.pad(type_table, ((0, N_TYPE_PAD - type_table.shape[0]),
                                        (0, 0)))
    fW1 = fus_W1
    fW2 = fus_W2
    cb1 = char_b1.reshape(1, -1)
    cb2 = char_b2.reshape(1, -1)
    fb1 = fus_b1.reshape(1, -1)
    fb2 = fus_b2.reshape(1, -1)
    char_bf = characteristics.astype(bf16)
    types_oh = (studio_types[:, None]
                == jnp.arange(N_TYPE_PAD, dtype=jnp.int32)[None, :]
                ).astype(bf16)

    nb = B // NSPLIT
    def pack_table(t, pk):
        p = lax.bitcast_convert_type(
            t.astype(bf16).reshape(-1, pk, 2), jnp.float32)
        if pk < GCOL:
            p = jnp.pad(p, ((0, 0), (0, GCOL - pk)))
        return p

    studio_pk = pack_table(studio_table, D_STUDIO_PK)

    def perm(seg):
        n = seg.shape[0]
        return seg.reshape(n // 2, 2, HID).transpose(1, 0, 2).reshape(n, HID)

    fW1 = jnp.concatenate([perm(fW1[:D_STUDIO]), fW1[D_STUDIO:]], axis=0)
    gathered = []
    for i in range(NSPLIT):
        sl = slice(i * nb, (i + 1) * nb)
        gathered.append(_sc_gather_all(
            nb, studio_ids[sl], distributor_ids[sl], prod_company_ids[sl],
            studio_pk, dist_table, prod_table))
    outs = []
    for i in range(NSPLIT):
        sl = slice(i * nb, (i + 1) * nb)
        s_emb, d_emb, p_emb = gathered[i]
        outs.append(_tc_mlp(
            nb, char_bf[sl], s_emb, d_emb, p_emb, types_oh[sl],
            char_W1, cb1, char_W2, cb2, type_table_p, fW1, fb1, fW2, fb2))
    return jnp.concatenate(outs, axis=0) if NSPLIT > 1 else outs[0]

# --- scband reference (transcript-rebuilt; emitter-appended) ---
"""Pipeline reference for scband-studio-encoder-89713276879663 (READ-ONLY COPY).

The authoritative reference and input builder live on the scoring server;
editing this copy changes nothing except your own understanding.
"""

import jax, jax.numpy as jnp
import numpy as np

EMB = 256
HID = 512
N_STUDIOS = 1000
N_DIST = 500
N_PROD = 5000
N_TYPES = 11
B = 16384

def setup_inputs(seed: int = 0) -> dict:
    key = jax.random.key(seed)
    ks = jax.random.split(key, 20)
    fusion_in = EMB + EMB // 2 + EMB // 2 + EMB // 4 + EMB // 4  # 640
    inp = {
        "studio_ids": jax.random.randint(ks[0], (B,), 0, N_STUDIOS, dtype=jnp.int32),
        "distributor_ids": jax.random.randint(ks[1], (B,), 0, N_DIST, dtype=jnp.int32),
        "prod_company_ids": jax.random.randint(ks[2], (B,), 0, N_PROD, dtype=jnp.int32),
        "characteristics": jax.random.normal(ks[3], (B, 16), dtype=jnp.float32),
        "studio_types": jax.random.randint(ks[4], (B,), 0, N_TYPES, dtype=jnp.int32),
        "studio_table": jax.random.normal(ks[5], (N_STUDIOS, EMB), dtype=jnp.float32),
        "dist_table": jax.random.normal(ks[6], (N_DIST, EMB // 2), dtype=jnp.float32),
        "prod_table": jax.random.normal(ks[7], (N_PROD, EMB // 2), dtype=jnp.float32),
        "type_table": jax.random.normal(ks[8], (N_TYPES, EMB // 4), dtype=jnp.float32),
        "char_W1": jax.random.normal(ks[9], (16, EMB // 4), dtype=jnp.float32) * 0.25,
        "char_b1": jnp.zeros((EMB // 4,), dtype=jnp.float32),
        "char_W2": jax.random.normal(ks[10], (EMB // 4, EMB // 4), dtype=jnp.float32) * 0.125,
        "char_b2": jnp.zeros((EMB // 4,), dtype=jnp.float32),
        "fus_W1": jax.random.normal(ks[11], (fusion_in, HID), dtype=jnp.float32) * 0.04,
        "fus_b1": jnp.zeros((HID,), dtype=jnp.float32),
        "fus_W2": jax.random.normal(ks[12], (HID, HID), dtype=jnp.float32) * 0.044,
        "fus_b2": jnp.zeros((HID,), dtype=jnp.float32),
    }
    return inp

def reference(studio_ids, distributor_ids, prod_company_ids, characteristics, studio_types,
              studio_table, dist_table, prod_table, type_table,
              char_W1, char_b1, char_W2, char_b2,
              fus_W1, fus_b1, fus_W2, fus_b2):
    studio_emb = jnp.take(studio_table, studio_ids, axis=0)
    dist_emb = jnp.take(dist_table, distributor_ids, axis=0)
    prod_emb = jnp.take(prod_table, prod_company_ids, axis=0)
    h = jax.nn.gelu(characteristics @ char_W1 + char_b1, approximate=False)
    char_emb = h @ char_W2 + char_b2
    type_emb = jnp.take(type_table, studio_types, axis=0)
    combined = jnp.concatenate([studio_emb, dist_emb, prod_emb, char_emb, type_emb], axis=-1)
    h2 = jax.nn.gelu(combined @ fus_W1 + fus_b1, approximate=False)
    # dropout is identity in eval mode
    out = h2 @ fus_W2 + fus_b2
    return out

if __name__ == "__main__":
    import jax
    _d = setup_inputs()
    print(jax.jit(kernel)(*tuple(_d.values())))

</pallas_src>

<mosaic_0001>
#map = affine_map<(d0, d1) -> (0)>
#map1 = affine_map<(d0, d1) -> (0, 0)>
module attributes {stable_mosaic.version = 14 : i64} {
  func.func @k(%arg0: i32, %arg1: i32, %arg2: memref<16384xi32, #tpu.memory_space<hbm>>, %arg3: memref<16384xi32, #tpu.memory_space<hbm>>, %arg4: memref<16384xi32, #tpu.memory_space<hbm>>, %arg5: memref<1000x128xf32, #tpu.memory_space<hbm>>, %arg6: memref<500x128xf32, #tpu.memory_space<hbm>>, %arg7: memref<5000x128xf32, #tpu.memory_space<hbm>>, %arg8: memref<16384x128xf32, #tpu.memory_space<hbm>>, %arg9: memref<16384x128xf32, #tpu.memory_space<hbm>>, %arg10: memref<16384x128xf32, #tpu.memory_space<hbm>>, %arg11: memref<512xi32, #tpu.memory_space<vmem>>, %arg12: memref<512xi32, #tpu.memory_space<vmem>>, %arg13: memref<512xi32, #tpu.memory_space<vmem>>, %arg14: memref<64x128xf32, #tpu.memory_space<vmem>>, %arg15: memref<64x128xf32, #tpu.memory_space<vmem>>, %arg16: memref<64x128xf32, #tpu.memory_space<vmem>>, %arg17: memref<64x128xf32, #tpu.memory_space<vmem>>, %arg18: memref<64x128xf32, #tpu.memory_space<vmem>>, %arg19: memref<64x128xf32, #tpu.memory_space<vmem>>, %arg20: memref<!tpu.dma_semaphore, #tpu.memory_space<semaphore_mem>>, %arg21: memref<!tpu.dma_semaphore, #tpu.memory_space<semaphore_mem>>, %arg22: memref<!tpu.dma_semaphore, #tpu.memory_space<semaphore_mem>>, %arg23: memref<!tpu.dma_semaphore, #tpu.memory_space<semaphore_mem>>, %arg24: memref<!tpu.dma_semaphore, #tpu.memory_space<semaphore_mem>>, %arg25: memref<!tpu.dma_semaphore, #tpu.memory_space<semaphore_mem>>, %arg26: memref<!tpu.dma_semaphore, #tpu.memory_space<semaphore_mem>>) attributes {dimension_semantics = [#tpu.dimension_semantics<core_parallel>, #tpu.dimension_semantics<subcore_parallel>], iteration_bounds = array<i64: 2, 16>, scalar_prefetch = 0 : i64, scratch_operands = 16 : i64, tpu.core_type = #tpu.core_type<sc_vector_subcore>, window_params = [{transform_indices = #map}, {transform_indices = #map}, {transform_indices = #map}, {transform_indices = #map1}, {transform_indices = #map1}, {transform_indices = #map1}, {transform_indices = #map1}, {transform_indices = #map1}, {transform_indices = #map1}]} {
    %mul3A = arith.constant 2 : i32
    %mul3A_0 = arith.muli %arg1, %mul3A : i32
    %add3A = arith.addi %mul3A_0, %arg0 : i32
    %mul3A_1 = arith.constant 512 : i32
    %mul3A_2 = arith.muli %add3A, %mul3A_1 : i32
    %dma_start3A = tpu.memref_slice %arg2[%mul3A_2] : memref<16384xi32, #tpu.memory_space<hbm>> -> memref<512xi32, #tpu.memory_space<hbm>>
    %dma_start3A_3 = tpu.memref_slice %arg2[%mul3A_2] : memref<16384xi32, #tpu.memory_space<hbm>> -> memref<512xi32, #tpu.memory_space<hbm>>
    tpu.enqueue_dma source(%dma_start3A_3 : memref<512xi32, #tpu.memory_space<hbm>>) target(%arg11 : memref<512xi32, #tpu.memory_space<vmem>>) target_semaphore(%arg20 : memref<!tpu.dma_semaphore, #tpu.memory_space<semaphore_mem>>)
    %dma_start3A_4 = tpu.memref_slice %arg3[%mul3A_2] : memref<16384xi32, #tpu.memory_space<hbm>> -> memref<512xi32, #tpu.memory_space<hbm>>
    %dma_start3A_5 = tpu.memref_slice %arg3[%mul3A_2] : memref<16384xi32, #tpu.memory_space<hbm>> -> memref<512xi32, #tpu.memory_space<hbm>>
    tpu.enqueue_dma source(%dma_start3A_5 : memref<512xi32, #tpu.memory_space<hbm>>) target(%arg12 : memref<512xi32, #tpu.memory_space<vmem>>) target_semaphore(%arg20 : memref<!tpu.dma_semaphore, #tpu.memory_space<semaphore_mem>>)
    %dma_start3A_6 = tpu.memref_slice %arg4[%mul3A_2] : memref<16384xi32, #tpu.memory_space<hbm>> -> memref<512xi32, #tpu.memory_space<hbm>>
    %dma_start3A_7 = tpu.memref_slice %arg4[%mul3A_2] : memref<16384xi32, #tpu.memory_space<hbm>> -> memref<512xi32, #tpu.memory_space<hbm>>
    tpu.enqueue_dma source(%dma_start3A_7 : memref<512xi32, #tpu.memory_space<hbm>>) target(%arg13 : memref<512xi32, #tpu.memory_space<vmem>>) target_semaphore(%arg20 : memref<!tpu.dma_semaphore, #tpu.memory_space<semaphore_mem>>)
    %dma_wait3A = tpu.memref_slice %arg2[%mul3A_2] : memref<16384xi32, #tpu.memory_space<hbm>> -> memref<512xi32, #tpu.memory_space<hbm>>
    %dma_wait3A_8 = tpu.memref_slice %arg2[%mul3A_2] : memref<16384xi32, #tpu.memory_space<hbm>> -> memref<512xi32, #tpu.memory_space<hbm>>
    tpu.wait_dma2 semaphore(%arg20 : memref<!tpu.dma_semaphore, #tpu.memory_space<semaphore_mem>>) src(%dma_wait3A_8 : memref<512xi32, #tpu.memory_space<hbm>>) dst(%arg11 : memref<512xi32, #tpu.memory_space<vmem>>)
    %dma_wait3A_9 = tpu.memref_slice %arg3[%mul3A_2] : memref<16384xi32, #tpu.memory_space<hbm>> -> memref<512xi32, #tpu.memory_space<hbm>>
    %dma_wait3A_10 = tpu.memref_slice %arg3[%mul3A_2] : memref<16384xi32, #tpu.memory_space<hbm>> -> memref<512xi32, #tpu.memory_space<hbm>>
    tpu.wait_dma2 semaphore(%arg20 : memref<!tpu.dma_semaphore, #tpu.memory_space<semaphore_mem>>) src(%dma_wait3A_10 : memref<512xi32, #tpu.memory_space<hbm>>) dst(%arg12 : memref<512xi32, #tpu.memory_space<vmem>>)
    %dma_wait3A_11 = tpu.memref_slice %arg4[%mul3A_2] : memref<16384xi32, #tpu.memory_space<hbm>> -> memref<512xi32, #tpu.memory_space<hbm>>
    %dma_wait3A_12 = tpu.memref_slice %arg4[%mul3A_2] : memref<16384xi32, #tpu.memory_space<hbm>> -> memref<512xi32, #tpu.memory_space<hbm>>
    tpu.wait_dma2 semaphore(%arg20 : memref<!tpu.dma_semaphore, #tpu.memory_space<semaphore_mem>>) src(%dma_wait3A_12 : memref<512xi32, #tpu.memory_space<hbm>>) dst(%arg13 : memref<512xi32, #tpu.memory_space<vmem>>)
    %dma_start3A_13 = arith.constant 0 : i32
    %dma_start3A_14 = tpu.memref_slice %arg11[%dma_start3A_13] : memref<512xi32, #tpu.memory_space<vmem>> -> memref<64xi32, #tpu.memory_space<vmem>>
    %dma_start3A_15 = arith.constant 0 : i32
    %dma_start3A_16 = arith.constant 0 : i32
    %dma_start3A_17 = tpu.memref_slice %arg5[%dma_start3A_15, %dma_start3A_16] : memref<1000x128xf32, #tpu.memory_space<hbm>> -> memref<1000x128xf32, #tpu.memory_space<hbm>>
    tpu.enqueue_indirect_dma source(%dma_start3A_17 : memref<1000x128xf32, #tpu.memory_space<hbm>>) target(%arg14 : memref<64x128xf32, #tpu.memory_space<vmem>>) offsets(%dma_start3A_14 : memref<64xi32, #tpu.memory_space<vmem>>) semaphore(%arg21 : memref<!tpu.dma_semaphore, #tpu.memory_space<semaphore_mem>>)
    %dma_start3A_18 = arith.constant 0 : i32
    %dma_start3A_19 = tpu.memref_slice %arg12[%dma_start3A_18] : memref<512xi32, #tpu.memory_space<vmem>> -> memref<64xi32, #tpu.memory_space<vmem>>
    %dma_start3A_20 = arith.constant 0 : i32
    %dma_start3A_21 = arith.constant 0 : i32
    %dma_start3A_22 = tpu.memref_slice %arg6[%dma_start3A_20, %dma_start3A_21] : memref<500x128xf32, #tpu.memory_space<hbm>> -> memref<500x128xf32, #tpu.memory_space<hbm>>
    tpu.enqueue_indirect_dma source(%dma_start3A_22 : memref<500x128xf32, #tpu.memory_space<hbm>>) target(%arg16 : memref<64x128xf32, #tpu.memory_space<vmem>>) offsets(%dma_start3A_19 : memref<64xi32, #tpu.memory_space<vmem>>) semaphore(%arg22 : memref<!tpu.dma_semaphore, #tpu.memory_space<semaphore_mem>>)
    %dma_start3A_23 = arith.constant 0 : i32
    %dma_start3A_24 = tpu.memref_slice %arg13[%dma_start3A_23] : memref<512xi32, #tpu.memory_space<vmem>> -> memref<64xi32, #tpu.memory_space<vmem>>
    %dma_start3A_25 = arith.constant 0 : i32
    %dma_start3A_26 = arith.constant 0 : i32
    %dma_start3A_27 = tpu.memref_slice %arg7[%dma_start3A_25, %dma_start3A_26] : memref<5000x128xf32, #tpu.memory_space<hbm>> -> memref<5000x128xf32, #tpu.memory_space<hbm>>
    tpu.enqueue_indirect_dma source(%dma_start3A_27 : memref<5000x128xf32, #tpu.memory_space<hbm>>) target(%arg18 : memref<64x128xf32, #tpu.memory_space<vmem>>) offsets(%dma_start3A_24 : memref<64xi32, #tpu.memory_space<vmem>>) semaphore(%arg23 : memref<!tpu.dma_semaphore, #tpu.memory_space<semaphore_mem>>)
    %scan3A = arith.constant 0 : i32
    %scan3A_28 = arith.constant 4 : i32
    %scan3A_29 = arith.addi %scan3A, %scan3A_28 : i32
    %scan3A_30 = arith.constant 1 : i32
    scf.for %scan3A_46 = %scan3A to %scan3A_29 step %scan3A_30  : i32 {
      %mul3A_47 = arith.constant 2 : i32
      %mul3A_48 = arith.muli %scan3A_46, %mul3A_47 : i32
      %add3A_49 = arith.constant 0 : i32
      %add3A_50 = arith.addi %add3A_49, %mul3A_48 : i32
      %add3A_51 = arith.constant 0 : i32
      %add3A_52 = arith.addi %add3A_50, %add3A_51 : i32
      %sub3A = arith.constant 1 : i32
      %sub3A_53 = arith.subi %add3A_52, %sub3A : i32
      %mul3A_54 = arith.constant 64 : i32
      %mul3A_55 = arith.muli %sub3A_53, %mul3A_54 : i32
      %add3A_56 = arith.addi %mul3A_2, %mul3A_55 : i32
      %mul3A_57 = arith.constant 64 : i32
      %mul3A_58 = arith.muli %add3A_52, %mul3A_57 : i32
      %add3A_59 = arith.addi %mul3A_2, %mul3A_58 : i32
      %ge3A = arith.constant 1 : i32
      %ge3A_60 = arith.cmpi sge, %add3A_52, %ge3A : i32
      %convert_element_type3A = arith.extui %ge3A_60 : i1 to i32
      %cond3A = arith.constant 0 : i32
      %cond3A_61 = arith.cmpi ne, %convert_element_type3A, %cond3A : i32
      scf.if %cond3A_61 {
        %dma_wait3A_150 = arith.constant 0 : i32
        %dma_wait3A_151 = tpu.memref_slice %arg8[%add3A_56, %dma_wait3A_150] : memref<16384x128xf32, #tpu.memory_space<hbm>> -> memref<64x128xf32, #tpu.memory_space<hbm>>
        %dma_wait3A_152 = arith.constant 0 : i32
        %dma_wait3A_153 = tpu.memref_slice %arg8[%add3A_56, %dma_wait3A_152] : memref<16384x128xf32, #tpu.memory_space<hbm>> -> memref<64x128xf32, #tpu.memory_space<hbm>>
        tpu.wait_dma2 semaphore(%arg24 : memref<!tpu.dma_semaphore, #tpu.memory_space<semaphore_mem>>) src(%arg15 : memref<64x128xf32, #tpu.memory_space<vmem>>) dst(%dma_wait3A_153 : memref<64x128xf32, #tpu.memory_space<hbm>>)
        %dma_wait3A_154 = arith.constant 0 : i32
        %dma_wait3A_155 = tpu.memref_slice %arg9[%add3A_56, %dma_wait3A_154] : memref<16384x128xf32, #tpu.memory_space<hbm>> -> memref<64x128xf32, #tpu.memory_space<hbm>>
        %dma_wait3A_156 = arith.constant 0 : i32
        %dma_wait3A_157 = tpu.memref_slice %arg9[%add3A_56, %dma_wait3A_156] : memref<16384x128xf32, #tpu.memory_space<hbm>> -> memref<64x128xf32, #tpu.memory_space<hbm>>
        tpu.wait_dma2 semaphore(%arg25 : memref<!tpu.dma_semaphore, #tpu.memory_space<semaphore_mem>>) src(%arg17 : memref<64x128xf32, #tpu.memory_space<vmem>>) dst(%dma_wait3A_157 : memref<64x128xf32, #tpu.memory_space<hbm>>)
        %dma_wait3A_158 = arith.constant 0 : i32
        %dma_wait3A_159 = tpu.memref_slice %arg10[%add3A_56, %dma_wait3A_158] : memref<16384x128xf32, #tpu.memory_space<hbm>> -> memref<64x128xf32, #tpu.memory_space<hbm>>
        %dma_wait3A_160 = arith.constant 0 : i32
        %dma_wait3A_161 = tpu.memref_slice %arg10[%add3A_56, %dma_wait3A_160] : memref<16384x128xf32, #tpu.memory_space<hbm>> -> memref<64x128xf32, #tpu.memory_space<hbm>>
        tpu.wait_dma2 semaphore(%arg26 : memref<!tpu.dma_semaphore, #tpu.memory_space<semaphore_mem>>) src(%arg19 : memref<64x128xf32, #tpu.memory_space<vmem>>) dst(%dma_wait3A_161 : memref<64x128xf32, #tpu.memory_space<hbm>>)
      } else {
      }
      %mul3A_62 = arith.constant 64 : i32
      %mul3A_63 = arith.muli %add3A_52, %mul3A_62 : i32
      %dma_wait3A_64 = tpu.memref_slice %arg11[%mul3A_63] : memref<512xi32, #tpu.memory_space<vmem>> -> memref<64xi32, #tpu.memory_space<vmem>>
      %dma_wait3A_65 = arith.constant 0 : i32
      %dma_wait3A_66 = arith.constant 0 : i32
      %dma_wait3A_67 = tpu.memref_slice %arg5[%dma_wait3A_65, %dma_wait3A_66] : memref<1000x128xf32, #tpu.memory_space<hbm>> -> memref<1000x128xf32, #tpu.memory_space<hbm>>
      tpu.wait_indirect_dma semaphore(%arg21 : memref<!tpu.dma_semaphore, #tpu.memory_space<semaphore_mem>>) src(%dma_wait3A_67 : memref<1000x128xf32, #tpu.memory_space<hbm>>) dst(%arg14 : memref<64x128xf32, #tpu.memory_space<vmem>>)
      %mul3A_68 = arith.constant 64 : i32
      %mul3A_69 = arith.muli %add3A_52, %mul3A_68 : i32
      %dma_wait3A_70 = tpu.memref_slice %arg12[%mul3A_69] : memref<512xi32, #tpu.memory_space<vmem>> -> memref<64xi32, #tpu.memory_space<vmem>>
      %dma_wait3A_71 = arith.constant 0 : i32
      %dma_wait3A_72 = arith.constant 0 : i32
      %dma_wait3A_73 = tpu.memref_slice %arg6[%dma_wait3A_71, %dma_wait3A_72] : memref<500x128xf32, #tpu.memory_space<hbm>> -> memref<500x128xf32, #tpu.memory_space<hbm>>
      tpu.wait_indirect_dma semaphore(%arg22 : memref<!tpu.dma_semaphore, #tpu.memory_space<semaphore_mem>>) src(%dma_wait3A_73 : memref<500x128xf32, #tpu.memory_space<hbm>>) dst(%arg16 : memref<64x128xf32, #tpu.memory_space<vmem>>)
      %mul3A_74 = arith.constant 64 : i32
      %mul3A_75 = arith.muli %add3A_52, %mul3A_74 : i32
      %dma_wait3A_76 = tpu.memref_slice %arg13[%mul3A_75] : memref<512xi32, #tpu.memory_space<vmem>> -> memref<64xi32, #tpu.memory_space<vmem>>
      %dma_wait3A_77 = arith.constant 0 : i32
      %dma_wait3A_78 = arith.constant 0 : i32
      %dma_wait3A_79 = tpu.memref_slice %arg7[%dma_wait3A_77, %dma_wait3A_78] : memref<5000x128xf32, #tpu.memory_space<hbm>> -> memref<5000x128xf32, #tpu.memory_space<hbm>>
      tpu.wait_indirect_dma semaphore(%arg23 : memref<!tpu.dma_semaphore, #tpu.memory_space<semaphore_mem>>) src(%dma_wait3A_79 : memref<5000x128xf32, #tpu.memory_space<hbm>>) dst(%arg18 : memref<64x128xf32, #tpu.memory_space<vmem>>)
      %add3A_80 = arith.constant 1 : i32
      %add3A_81 = arith.addi %add3A_52, %add3A_80 : i32
      %lt3A = arith.constant 8 : i32
      %lt3A_82 = arith.cmpi slt, %add3A_81, %lt3A : i32
      %convert_element_type3A_83 = arith.extui %lt3A_82 : i1 to i32
      %cond3A_84 = arith.constant 0 : i32
      %cond3A_85 = arith.cmpi ne, %convert_element_type3A_83, %cond3A_84 : i32
      scf.if %cond3A_85 {
        %add3A_150 = arith.constant 1 : i32
        %add3A_151 = arith.addi %add3A_52, %add3A_150 : i32
        %mul3A_152 = arith.constant 64 : i32
        %mul3A_153 = arith.muli %add3A_151, %mul3A_152 : i32
        %dma_start3A_154 = tpu.memref_slice %arg11[%mul3A_153] : memref<512xi32, #tpu.memory_space<vmem>> -> memref<64xi32, #tpu.memory_space<vmem>>
        %dma_start3A_155 = arith.constant 0 : i32
        %dma_start3A_156 = arith.constant 0 : i32
        %dma_start3A_157 = tpu.memref_slice %arg5[%dma_start3A_155, %dma_start3A_156] : memref<1000x128xf32, #tpu.memory_space<hbm>> -> memref<1000x128xf32, #tpu.memory_space<hbm>>
        tpu.enqueue_indirect_dma source(%dma_start3A_157 : memref<1000x128xf32, #tpu.memory_space<hbm>>) target(%arg15 : memref<64x128xf32, #tpu.memory_space<vmem>>) offsets(%dma_start3A_154 : memref<64xi32, #tpu.memory_space<vmem>>) semaphore(%arg21 : memref<!tpu.dma_semaphore, #tpu.memory_space<semaphore_mem>>)
        %mul3A_158 = arith.constant 64 : i32
        %mul3A_159 = arith.muli %add3A_151, %mul3A_158 : i32
        %dma_start3A_160 = tpu.memref_slice %arg12[%mul3A_159] : memref<512xi32, #tpu.memory_space<vmem>> -> memref<64xi32, #tpu.memory_space<vmem>>
        %dma_start3A_161 = arith.constant 0 : i32
        %dma_start3A_162 = arith.constant 0 : i32
        %dma_start3A_163 = tpu.memref_slice %arg6[%dma_start3A_161, %dma_start3A_162] : memref<500x128xf32, #tpu.memory_space<hbm>> -> memref<500x128xf32, #tpu.memory_space<hbm>>
        tpu.enqueue_indirect_dma source(%dma_start3A_163 : memref<500x128xf32, #tpu.memory_space<hbm>>) target(%arg17 : memref<64x128xf32, #tpu.memory_space<vmem>>) offsets(%dma_start3A_160 : memref<64xi32, #tpu.memory_space<vmem>>) semaphore(%arg22 : memref<!tpu.dma_semaphore, #tpu.memory_space<semaphore_mem>>)
        %mul3A_164 = arith.constant 64 : i32
        %mul3A_165 = arith.muli %add3A_151, %mul3A_164 : i32
        %dma_start3A_166 = tpu.memref_slice %arg13[%mul3A_165] : memref<512xi32, #tpu.memory_space<vmem>> -> memref<64xi32, #tpu.memory_space<vmem>>
        %dma_start3A_167 = arith.constant 0 : i32
        %dma_start3A_168 = arith.constant 0 : i32
        %dma_start3A_169 = tpu.memref_slice %arg7[%dma_start3A_167, %dma_start3A_168] : memref<5000x128xf32, #tpu.memory_space<hbm>> -> memref<5000x128xf32, #tpu.memory_space<hbm>>
        tpu.enqueue_indirect_dma source(%dma_start3A_169 : memref<5000x128xf32, #tpu.memory_space<hbm>>) target(%arg19 : memref<64x128xf32, #tpu.memory_space<vmem>>) offsets(%dma_start3A_166 : memref<64xi32, #tpu.memory_space<vmem>>) semaphore(%arg23 : memref<!tpu.dma_semaphore, #tpu.memory_space<semaphore_mem>>)
      } else {
      }
      %dma_start3A_86 = arith.constant 0 : i32
      %dma_start3A_87 = tpu.memref_slice %arg8[%add3A_59, %dma_start3A_86] : memref<16384x128xf32, #tpu.memory_space<hbm>> -> memref<64x128xf32, #tpu.memory_space<hbm>>
      %dma_start3A_88 = arith.constant 0 : i32
      %dma_start3A_89 = tpu.memref_slice %arg8[%add3A_59, %dma_start3A_88] : memref<16384x128xf32, #tpu.memory_space<hbm>> -> memref<64x128xf32, #tpu.memory_space<hbm>>
      tpu.enqueue_dma source(%arg14 : memref<64x128xf32, #tpu.memory_space<vmem>>) target(%dma_start3A_89 : memref<64x128xf32, #tpu.memory_space<hbm>>) target_semaphore(%arg24 : memref<!tpu.dma_semaphore, #tpu.memory_space<semaphore_mem>>)
      %dma_start3A_90 = arith.constant 0 : i32
      %dma_start3A_91 = tpu.memref_slice %arg9[%add3A_59, %dma_start3A_90] : memref<16384x128xf32, #tpu.memory_space<hbm>> -> memref<64x128xf32, #tpu.memory_space<hbm>>
      %dma_start3A_92 = arith.constant 0 : i32
      %dma_start3A_93 = tpu.memref_slice %arg9[%add3A_59, %dma_start3A_92] : memref<16384x128xf32, #tpu.memory_space<hbm>> -> memref<64x128xf32, #tpu.memory_space<hbm>>
      tpu.enqueue_dma source(%arg16 : memref<64x128xf32, #tpu.memory_space<vmem>>) target(%dma_start3A_93 : memref<64x128xf32, #tpu.memory_space<hbm>>) target_semaphore(%arg25 : memref<!tpu.dma_semaphore, #tpu.memory_space<semaphore_mem>>)
      %dma_start3A_94 = arith.constant 0 : i32
      %dma_start3A_95 = tpu.memref_slice %arg10[%add3A_59, %dma_start3A_94] : memref<16384x128xf32, #tpu.memory_space<hbm>> -> memref<64x128xf32, #tpu.memory_space<hbm>>
      %dma_start3A_96 = arith.constant 0 : i32
      %dma_start3A_97 = tpu.memref_slice %arg10[%add3A_59, %dma_start3A_96] : memref<16384x128xf32, #tpu.memory_space<hbm>> -> memref<64x128xf32, #tpu.memory_space<hbm>>
      tpu.enqueue_dma source(%arg18 : memref<64x128xf32, #tpu.memory_space<vmem>>) target(%dma_start3A_97 : memref<64x128xf32, #tpu.memory_space<hbm>>) target_semaphore(%arg26 : memref<!tpu.dma_semaphore, #tpu.memory_space<semaphore_mem>>)
      %add3A_98 = arith.constant 1 : i32
      %add3A_99 = arith.addi %add3A_50, %add3A_98 : i32
      %sub3A_100 = arith.constant 1 : i32
      %sub3A_101 = arith.subi %add3A_99, %sub3A_100 : i32
      %mul3A_102 = arith.constant 64 : i32
      %mul3A_103 = arith.muli %sub3A_101, %mul3A_102 : i32
      %add3A_104 = arith.addi %mul3A_2, %mul3A_103 : i32
      %mul3A_105 = arith.constant 64 : i32
      %mul3A_106 = arith.muli %add3A_99, %mul3A_105 : i32
      %add3A_107 = arith.addi %mul3A_2, %mul3A_106 : i32
      %ge3A_108 = arith.constant 1 : i32
      %ge3A_109 = arith.cmpi sge, %add3A_99, %ge3A_108 : i32
      %convert_element_type3A_110 = arith.extui %ge3A_109 : i1 to i32
      %cond3A_111 = arith.constant 0 : i32
      %cond3A_112 = arith.cmpi ne, %convert_element_type3A_110, %cond3A_111 : i32
      scf.if %cond3A_112 {
        %dma_wait3A_150 = arith.constant 0 : i32
        %dma_wait3A_151 = tpu.memref_slice %arg8[%add3A_104, %dma_wait3A_150] : memref<16384x128xf32, #tpu.memory_space<hbm>> -> memref<64x128xf32, #tpu.memory_space<hbm>>
        %dma_wait3A_152 = arith.constant 0 : i32
        %dma_wait3A_153 = tpu.memref_slice %arg8[%add3A_104, %dma_wait3A_152] : memref<16384x128xf32, #tpu.memory_space<hbm>> -> memref<64x128xf32, #tpu.memory_space<hbm>>
        tpu.wait_dma2 semaphore(%arg24 : memref<!tpu.dma_semaphore, #tpu.memory_space<semaphore_mem>>) src(%arg14 : memref<64x128xf32, #tpu.memory_space<vmem>>) dst(%dma_wait3A_153 : memref<64x128xf32, #tpu.memory_space<hbm>>)
        %dma_wait3A_154 = arith.constant 0 : i32
        %dma_wait3A_155 = tpu.memref_slice %arg9[%add3A_104, %dma_wait3A_154] : memref<16384x128xf32, #tpu.memory_space<hbm>> -> memref<64x128xf32, #tpu.memory_space<hbm>>
        %dma_wait3A_156 = arith.constant 0 : i32
        %dma_wait3A_157 = tpu.memref_slice %arg9[%add3A_104, %dma_wait3A_156] : memref<16384x128xf32, #tpu.memory_space<hbm>> -> memref<64x128xf32, #tpu.memory_space<hbm>>
        tpu.wait_dma2 semaphore(%arg25 : memref<!tpu.dma_semaphore, #tpu.memory_space<semaphore_mem>>) src(%arg16 : memref<64x128xf32, #tpu.memory_space<vmem>>) dst(%dma_wait3A_157 : memref<64x128xf32, #tpu.memory_space<hbm>>)
        %dma_wait3A_158 = arith.constant 0 : i32
        %dma_wait3A_159 = tpu.memref_slice %arg10[%add3A_104, %dma_wait3A_158] : memref<16384x128xf32, #tpu.memory_space<hbm>> -> memref<64x128xf32, #tpu.memory_space<hbm>>
        %dma_wait3A_160 = arith.constant 0 : i32
        %dma_wait3A_161 = tpu.memref_slice %arg10[%add3A_104, %dma_wait3A_160] : memref<16384x128xf32, #tpu.memory_space<hbm>> -> memref<64x128xf32, #tpu.memory_space<hbm>>
        tpu.wait_dma2 semaphore(%arg26 : memref<!tpu.dma_semaphore, #tpu.memory_space<semaphore_mem>>) src(%arg18 : memref<64x128xf32, #tpu.memory_space<vmem>>) dst(%dma_wait3A_161 : memref<64x128xf32, #tpu.memory_space<hbm>>)
      } else {
      }
      %mul3A_113 = arith.constant 64 : i32
      %mul3A_114 = arith.muli %add3A_99, %mul3A_113 : i32
      %dma_wait3A_115 = tpu.memref_slice %arg11[%mul3A_114] : memref<512xi32, #tpu.memory_space<vmem>> -> memref<64xi32, #tpu.memory_space<vmem>>
      %dma_wait3A_116 = arith.constant 0 : i32
      %dma_wait3A_117 = arith.constant 0 : i32
      %dma_wait3A_118 = tpu.memref_slice %arg5[%dma_wait3A_116, %dma_wait3A_117] : memref<1000x128xf32, #tpu.memory_space<hbm>> -> memref<1000x128xf32, #tpu.memory_space<hbm>>
      tpu.wait_indirect_dma semaphore(%arg21 : memref<!tpu.dma_semaphore, #tpu.memory_space<semaphore_mem>>) src(%dma_wait3A_118 : memref<1000x128xf32, #tpu.memory_space<hbm>>) dst(%arg15 : memref<64x128xf32, #tpu.memory_space<vmem>>)
      %mul3A_119 = arith.constant 64 : i32
      %mul3A_120 = arith.muli %add3A_99, %mul3A_119 : i32
      %dma_wait3A_121 = tpu.memref_slice %arg12[%mul3A_120] : memref<512xi32, #tpu.memory_space<vmem>> -> memref<64xi32, #tpu.memory_space<vmem>>
      %dma_wait3A_122 = arith.constant 0 : i32
      %dma_wait3A_123 = arith.constant 0 : i32
      %dma_wait3A_124 = tpu.memref_slice %arg6[%dma_wait3A_122, %dma_wait3A_123] : memref<500x128xf32, #tpu.memory_space<hbm>> -> memref<500x128xf32, #tpu.memory_space<hbm>>
      tpu.wait_indirect_dma semaphore(%arg22 : memref<!tpu.dma_semaphore, #tpu.memory_space<semaphore_mem>>) src(%dma_wait3A_124 : memref<500x128xf32, #tpu.memory_space<hbm>>) dst(%arg17 : memref<64x128xf32, #tpu.memory_space<vmem>>)
      %mul3A_125 = arith.constant 64 : i32
      %mul3A_126 = arith.muli %add3A_99, %mul3A_125 : i32
      %dma_wait3A_127 = tpu.memref_slice %arg13[%mul3A_126] : memref<512xi32, #tpu.memory_space<vmem>> -> memref<64xi32, #tpu.memory_space<vmem>>
      %dma_wait3A_128 = arith.constant 0 : i32
      %dma_wait3A_129 = arith.constant 0 : i32
      %dma_wait3A_130 = tpu.memref_slice %arg7[%dma_wait3A_128, %dma_wait3A_129] : memref<5000x128xf32, #tpu.memory_space<hbm>> -> memref<5000x128xf32, #tpu.memory_space<hbm>>
      tpu.wait_indirect_dma semaphore(%arg23 : memref<!tpu.dma_semaphore, #tpu.memory_space<semaphore_mem>>) src(%dma_wait3A_130 : memref<5000x128xf32, #tpu.memory_space<hbm>>) dst(%arg19 : memref<64x128xf32, #tpu.memory_space<vmem>>)
      %add3A_131 = arith.constant 1 : i32
      %add3A_132 = arith.addi %add3A_99, %add3A_131 : i32
      %lt3A_133 = arith.constant 8 : i32
      %lt3A_134 = arith.cmpi slt, %add3A_132, %lt3A_133 : i32
      %convert_element_type3A_135 = arith.extui %lt3A_134 : i1 to i32
      %cond3A_136 = arith.constant 0 : i32
      %cond3A_137 = arith.cmpi ne, %convert_element_type3A_135, %cond3A_136 : i32
      scf.if %cond3A_137 {
        %add3A_150 = arith.constant 1 : i32
        %add3A_151 = arith.addi %add3A_99, %add3A_150 : i32
        %mul3A_152 = arith.constant 64 : i32
        %mul3A_153 = arith.muli %add3A_151, %mul3A_152 : i32
        %dma_start3A_154 = tpu.memref_slice %arg11[%mul3A_153] : memref<512xi32, #tpu.memory_space<vmem>> -> memref<64xi32, #tpu.memory_space<vmem>>
        %dma_start3A_155 = arith.constant 0 : i32
        %dma_start3A_156 = arith.constant 0 : i32
        %dma_start3A_157 = tpu.memref_slice %arg5[%dma_start3A_155, %dma_start3A_156] : memref<1000x128xf32, #tpu.memory_space<hbm>> -> memref<1000x128xf32, #tpu.memory_space<hbm>>
        tpu.enqueue_indirect_dma source(%dma_start3A_157 : memref<1000x128xf32, #tpu.memory_space<hbm>>) target(%arg14 : memref<64x128xf32, #tpu.memory_space<vmem>>) offsets(%dma_start3A_154 : memref<64xi32, #tpu.memory_space<vmem>>) semaphore(%arg21 : memref<!tpu.dma_semaphore, #tpu.memory_space<semaphore_mem>>)
        %mul3A_158 = arith.constant 64 : i32
        %mul3A_159 = arith.muli %add3A_151, %mul3A_158 : i32
        %dma_start3A_160 = tpu.memref_slice %arg12[%mul3A_159] : memref<512xi32, #tpu.memory_space<vmem>> -> memref<64xi32, #tpu.memory_space<vmem>>
        %dma_start3A_161 = arith.constant 0 : i32
        %dma_start3A_162 = arith.constant 0 : i32
        %dma_start3A_163 = tpu.memref_slice %arg6[%dma_start3A_161, %dma_start3A_162] : memref<500x128xf32, #tpu.memory_space<hbm>> -> memref<500x128xf32, #tpu.memory_space<hbm>>
        tpu.enqueue_indirect_dma source(%dma_start3A_163 : memref<500x128xf32, #tpu.memory_space<hbm>>) target(%arg16 : memref<64x128xf32, #tpu.memory_space<vmem>>) offsets(%dma_start3A_160 : memref<64xi32, #tpu.memory_space<vmem>>) semaphore(%arg22 : memref<!tpu.dma_semaphore, #tpu.memory_space<semaphore_mem>>)
        %mul3A_164 = arith.constant 64 : i32
        %mul3A_165 = arith.muli %add3A_151, %mul3A_164 : i32
        %dma_start3A_166 = tpu.memref_slice %arg13[%mul3A_165] : memref<512xi32, #tpu.memory_space<vmem>> -> memref<64xi32, #tpu.memory_space<vmem>>
        %dma_start3A_167 = arith.constant 0 : i32
        %dma_start3A_168 = arith.constant 0 : i32
        %dma_start3A_169 = tpu.memref_slice %arg7[%dma_start3A_167, %dma_start3A_168] : memref<5000x128xf32, #tpu.memory_space<hbm>> -> memref<5000x128xf32, #tpu.memory_space<hbm>>
        tpu.enqueue_indirect_dma source(%dma_start3A_169 : memref<5000x128xf32, #tpu.memory_space<hbm>>) target(%arg18 : memref<64x128xf32, #tpu.memory_space<vmem>>) offsets(%dma_start3A_166 : memref<64xi32, #tpu.memory_space<vmem>>) semaphore(%arg23 : memref<!tpu.dma_semaphore, #tpu.memory_space<semaphore_mem>>)
      } else {
      }
      %dma_start3A_138 = arith.constant 0 : i32
      %dma_start3A_139 = tpu.memref_slice %arg8[%add3A_107, %dma_start3A_138] : memref<16384x128xf32, #tpu.memory_space<hbm>> -> memref<64x128xf32, #tpu.memory_space<hbm>>
      %dma_start3A_140 = arith.constant 0 : i32
      %dma_start3A_141 = tpu.memref_slice %arg8[%add3A_107, %dma_start3A_140] : memref<16384x128xf32, #tpu.memory_space<hbm>> -> memref<64x128xf32, #tpu.memory_space<hbm>>
      tpu.enqueue_dma source(%arg15 : memref<64x128xf32, #tpu.memory_space<vmem>>) target(%dma_start3A_141 : memref<64x128xf32, #tpu.memory_space<hbm>>) target_semaphore(%arg24 : memref<!tpu.dma_semaphore, #tpu.memory_space<semaphore_mem>>)
      %dma_start3A_142 = arith.constant 0 : i32
      %dma_start3A_143 = tpu.memref_slice %arg9[%add3A_107, %dma_start3A_142] : memref<16384x128xf32, #tpu.memory_space<hbm>> -> memref<64x128xf32, #tpu.memory_space<hbm>>
      %dma_start3A_144 = arith.constant 0 : i32
      %dma_start3A_145 = tpu.memref_slice %arg9[%add3A_107, %dma_start3A_144] : memref<16384x128xf32, #tpu.memory_space<hbm>> -> memref<64x128xf32, #tpu.memory_space<hbm>>
      tpu.enqueue_dma source(%arg17 : memref<64x128xf32, #tpu.memory_space<vmem>>) target(%dma_start3A_145 : memref<64x128xf32, #tpu.memory_space<hbm>>) target_semaphore(%arg25 : memref<!tpu.dma_semaphore, #tpu.memory_space<semaphore_mem>>)
      %dma_start3A_146 = arith.constant 0 : i32
      %dma_start3A_147 = tpu.memref_slice %arg10[%add3A_107, %dma_start3A_146] : memref<16384x128xf32, #tpu.memory_space<hbm>> -> memref<64x128xf32, #tpu.memory_space<hbm>>
      %dma_start3A_148 = arith.constant 0 : i32
      %dma_start3A_149 = tpu.memref_slice %arg10[%add3A_107, %dma_start3A_148] : memref<16384x128xf32, #tpu.memory_space<hbm>> -> memref<64x128xf32, #tpu.memory_space<hbm>>
      tpu.enqueue_dma source(%arg19 : memref<64x128xf32, #tpu.memory_space<vmem>>) target(%dma_start3A_149 : memref<64x128xf32, #tpu.memory_space<hbm>>) target_semaphore(%arg26 : memref<!tpu.dma_semaphore, #tpu.memory_space<semaphore_mem>>)
    }
    %scan3A_31 = arith.constant 4 : i32
    %add3A_32 = arith.constant 448 : i32
    %add3A_33 = arith.addi %mul3A_2, %add3A_32 : i32
    %dma_wait3A_34 = arith.constant 0 : i32
    %dma_wait3A_35 = tpu.memref_slice %arg8[%add3A_33, %dma_wait3A_34] : memref<16384x128xf32, #tpu.memory_space<hbm>> -> memref<64x128xf32, #tpu.memory_space<hbm>>
    %dma_wait3A_36 = arith.constant 0 : i32
    %dma_wait3A_37 = tpu.memref_slice %arg8[%add3A_33, %dma_wait3A_36] : memref<16384x128xf32, #tpu.memory_space<hbm>> -> memref<64x128xf32, #tpu.memory_space<hbm>>
    tpu.wait_dma2 semaphore(%arg24 : memref<!tpu.dma_semaphore, #tpu.memory_space<semaphore_mem>>) src(%arg15 : memref<64x128xf32, #tpu.memory_space<vmem>>) dst(%dma_wait3A_37 : memref<64x128xf32, #tpu.memory_space<hbm>>)
    %dma_wait3A_38 = arith.constant 0 : i32
    %dma_wait3A_39 = tpu.memref_slice %arg9[%add3A_33, %dma_wait3A_38] : memref<16384x128xf32, #tpu.memory_space<hbm>> -> memref<64x128xf32, #tpu.memory_space<hbm>>
    %dma_wait3A_40 = arith.constant 0 : i32
    %dma_wait3A_41 = tpu.memref_slice %arg9[%add3A_33, %dma_wait3A_40] : memref<16384x128xf32, #tpu.memory_space<hbm>> -> memref<64x128xf32, #tpu.memory_space<hbm>>
    tpu.wait_dma2 semaphore(%arg25 : memref<!tpu.dma_semaphore, #tpu.memory_space<semaphore_mem>>) src(%arg17 : memref<64x128xf32, #tpu.memory_space<vmem>>) dst(%dma_wait3A_41 : memref<64x128xf32, #tpu.memory_space<hbm>>)
    %dma_wait3A_42 = arith.constant 0 : i32
    %dma_wait3A_43 = tpu.memref_slice %arg10[%add3A_33, %dma_wait3A_42] : memref<16384x128xf32, #tpu.memory_space<hbm>> -> memref<64x128xf32, #tpu.memory_space<hbm>>
    %dma_wait3A_44 = arith.constant 0 : i32
    %dma_wait3A_45 = tpu.memref_slice %arg10[%add3A_33, %dma_wait3A_44] : memref<16384x128xf32, #tpu.memory_space<hbm>> -> memref<64x128xf32, #tpu.memory_space<hbm>>
    tpu.wait_dma2 semaphore(%arg26 : memref<!tpu.dma_semaphore, #tpu.memory_space<semaphore_mem>>) src(%arg19 : memref<64x128xf32, #tpu.memory_space<vmem>>) dst(%dma_wait3A_45 : memref<64x128xf32, #tpu.memory_space<hbm>>)
    return
  }
}

module attributes {stable_mosaic.version = 14 : i64} {
  func.func @_mlp_body(%arg0: i32, %arg1: memref<2048x16xbf16, #tpu.memory_space<vmem>>, %arg2: memref<2048x128xf32, #tpu.memory_space<vmem>>, %arg3: memref<2048x128xf32, #tpu.memory_space<vmem>>, %arg4: memref<2048x128xf32, #tpu.memory_space<vmem>>, %arg5: memref<2048x16xbf16, #tpu.memory_space<vmem>>, %arg6: memref<16x64xf32, #tpu.memory_space<vmem>>, %arg7: memref<1x64xf32, #tpu.memory_space<vmem>>, %arg8: memref<64x64xf32, #tpu.memory_space<vmem>>, %arg9: memref<1x64xf32, #tpu.memory_space<vmem>>, %arg10: memref<16x64xf32, #tpu.memory_space<vmem>>, %arg11: memref<640x512xf32, #tpu.memory_space<vmem>>, %arg12: memref<1x512xf32, #tpu.memory_space<vmem>>, %arg13: memref<512x512xf32, #tpu.memory_space<vmem>>, %arg14: memref<1x512xf32, #tpu.memory_space<vmem>>, %arg15: memref<2048x512xf32, #tpu.memory_space<vmem>>) attributes {dimension_semantics = [#tpu.dimension_semantics<arbitrary>], iteration_bounds = array<i64: 8>, scalar_prefetch = 0 : i64, scratch_operands = 0 : i64, tpu.core_type = #tpu.core_type<tc>, window_params = [{transform_indices = @transform_0, window_bounds = array<i64: 2048, 16>}, {transform_indices = @transform_1, window_bounds = array<i64: 2048, 128>}, {transform_indices = @transform_2, window_bounds = array<i64: 2048, 128>}, {transform_indices = @transform_3, window_bounds = array<i64: 2048, 128>}, {transform_indices = @transform_4, window_bounds = array<i64: 2048, 16>}, {pipeline_mode = #tpu.pipeline_mode<synchronous>, transform_indices = @transform_5, window_bounds = array<i64: 16, 64>}, {pipeline_mode = #tpu.pipeline_mode<synchronous>, transform_indices = @transform_6, window_bounds = array<i64: 1, 64>}, {pipeline_mode = #tpu.pipeline_mode<synchronous>, transform_indices = @transform_7, window_bounds = array<i64: 64, 64>}, {pipeline_mode = #tpu.pipeline_mode<synchronous>, transform_indices = @transform_8, window_bounds = array<i64: 1, 64>}, {pipeline_mode = #tpu.pipeline_mode<synchronous>, transform_indices = @transform_9, window_bounds = array<i64: 16, 64>}, {pipeline_mode = #tpu.pipeline_mode<synchronous>, transform_indices = @transform_10, window_bounds = array<i64: 640, 512>}, {pipeline_mode = #tpu.pipeline_mode<synchronous>, transform_indices = @transform_11, window_bounds = array<i64: 1, 512>}, {pipeline_mode = #tpu.pipeline_mode<synchronous>, transform_indices = @transform_12, window_bounds = array<i64: 512, 512>}, {pipeline_mode = #tpu.pipeline_mode<synchronous>, transform_indices = @transform_13, window_bounds = array<i64: 1, 512>}, {transform_indices = @transform_14, window_bounds = array<i64: 2048, 512>}]} {
    %get3A = arith.constant 0 : index
    %get3A_0 = arith.constant 0 : index
    %get3A_1 = vector.load %arg1[%get3A, %get3A_0] : memref<2048x16xbf16, #tpu.memory_space<vmem>>, vector<2048x16xbf16>
    %get3A_2 = arith.constant 0 : index
    %get3A_3 = arith.constant 0 : index
    %get3A_4 = vector.load %arg6[%get3A_2, %get3A_3] : memref<16x64xf32, #tpu.memory_space<vmem>>, vector<16x64xf32>
    %convert_element_type3A = arith.truncf %get3A_4 : vector<16x64xf32> to vector<16x64xbf16>
    %dot_general3A = arith.constant dense<0.000000e+00> : vector<2048x64xf32>
    %dot_general3A_5 = tpu.matmul %get3A_1, %convert_element_type3A, %dot_general3A {dimension_numbers = #tpu.dot_dimension_numbers<[1], [0], [0], [1], [0, 0, 1, 1], [], []>, transpose_lhs_hint = false} : vector<2048x16xbf16>, vector<16x64xbf16>, vector<2048x64xf32> -> vector<2048x64xf32>
    %get3A_6 = arith.constant 0 : index
    %get3A_7 = arith.constant 0 : index
    %get3A_8 = vector.load %arg7[%get3A_6, %get3A_7] : memref<1x64xf32, #tpu.memory_space<vmem>>, vector<1x64xf32>
    %add3A = vector.broadcast %get3A_8 : vector<1x64xf32> to vector<2048x64xf32>
    %add3A_9 = arith.addf %dot_general3A_5, %add3A : vector<2048x64xf32>
    %mul3A = arith.constant 0.707106769 : f32
    %mul3A_10 = vector.broadcast %mul3A : f32 to vector<2048x64xf32>
    %mul3A_11 = arith.mulf %add3A_9, %mul3A_10 : vector<2048x64xf32>
    %erf3A = math.erf %mul3A_11 : vector<2048x64xf32>
    %add3A_12 = arith.constant 1.000000e+00 : f32
    %add3A_13 = vector.broadcast %add3A_12 : f32 to vector<2048x64xf32>
    %add3A_14 = arith.addf %add3A_13, %erf3A : vector<2048x64xf32>
    %mul3A_15 = arith.constant 5.000000e-01 : f32
    %mul3A_16 = vector.broadcast %mul3A_15 : f32 to vector<2048x64xf32>
    %mul3A_17 = arith.mulf %mul3A_16, %add3A_14 : vector<2048x64xf32>
    %mul3A_18 = arith.mulf %add3A_9, %mul3A_17 : vector<2048x64xf32>
    %convert_element_type3A_19 = arith.truncf %mul3A_18 : vector<2048x64xf32> to vector<2048x64xbf16>
    %get3A_20 = arith.constant 0 : index
    %get3A_21 = arith.constant 0 : index
    %get3A_22 = vector.load %arg8[%get3A_20, %get3A_21] : memref<64x64xf32, #tpu.memory_space<vmem>>, vector<64x64xf32>
    %convert_element_type3A_23 = arith.truncf %get3A_22 : vector<64x64xf32> to vector<64x64xbf16>
    %dot_general3A_24 = arith.constant dense<0.000000e+00> : vector<2048x64xf32>
    %dot_general3A_25 = tpu.matmul %convert_element_type3A_19, %convert_element_type3A_23, %dot_general3A_24 {dimension_numbers = #tpu.dot_dimension_numbers<[1], [0], [0], [1], [0, 0, 1, 1], [], []>, transpose_lhs_hint = false} : vector<2048x64xbf16>, vector<64x64xbf16>, vector<2048x64xf32> -> vector<2048x64xf32>
    %get3A_26 = arith.constant 0 : index
    %get3A_27 = arith.constant 0 : index
    %get3A_28 = vector.load %arg9[%get3A_26, %get3A_27] : memref<1x64xf32, #tpu.memory_space<vmem>>, vector<1x64xf32>
    %add3A_29 = vector.broadcast %get3A_28 : vector<1x64xf32> to vector<2048x64xf32>
    %add3A_30 = arith.addf %dot_general3A_25, %add3A_29 : vector<2048x64xf32>
    %convert_element_type3A_31 = arith.truncf %add3A_30 : vector<2048x64xf32> to vector<2048x64xbf16>
    %get3A_32 = arith.constant 0 : index
    %get3A_33 = arith.constant 0 : index
    %get3A_34 = vector.load %arg5[%get3A_32, %get3A_33] : memref<2048x16xbf16, #tpu.memory_space<vmem>>, vector<2048x16xbf16>
    %get3A_35 = arith.constant 0 : index
    %get3A_36 = arith.constant 0 : index
    %get3A_37 = vector.load %arg10[%get3A_35, %get3A_36] : memref<16x64xf32, #tpu.memory_space<vmem>>, vector<16x64xf32>
    %convert_element_type3A_38 = arith.truncf %get3A_37 : vector<16x64xf32> to vector<16x64xbf16>
    %dot_general3A_39 = arith.constant dense<0.000000e+00> : vector<2048x64xf32>
    %dot_general3A_40 = tpu.matmul %get3A_34, %convert_element_type3A_38, %dot_general3A_39 {dimension_numbers = #tpu.dot_dimension_numbers<[1], [0], [0], [1], [0, 0, 1, 1], [], []>, transpose_lhs_hint = false} : vector<2048x16xbf16>, vector<16x64xbf16>, vector<2048x64xf32> -> vector<2048x64xf32>
    %convert_element_type3A_41 = arith.truncf %dot_general3A_40 : vector<2048x64xf32> to vector<2048x64xbf16>
    %get3A_42 = arith.constant 0 : index
    %get3A_43 = arith.constant 0 : index
    %get3A_44 = vector.load %arg2[%get3A_42, %get3A_43] : memref<2048x128xf32, #tpu.memory_space<vmem>>, vector<2048x128xf32>
    %bitcast_convert_type3A = tpu.bitcast %get3A_44 : vector<2048x128xf32> -> vector<2048x128xi32>
    %shift_left3A = arith.constant 16 : i32
    %shift_left3A_45 = vector.broadcast %shift_left3A : i32 to vector<2048x128xi32>
    %shift_left3A_46 = arith.shli %bitcast_convert_type3A, %shift_left3A_45 : vector<2048x128xi32>
    %bitcast_convert_type3A_47 = tpu.bitcast %shift_left3A_46 : vector<2048x128xi32> -> vector<2048x128xf32>
    %convert_element_type3A_48 = arith.truncf %bitcast_convert_type3A_47 : vector<2048x128xf32> to vector<2048x128xbf16>
    %and3A = arith.constant -65536 : i32
    %and3A_49 = vector.broadcast %and3A : i32 to vector<2048x128xi32>
    %and3A_50 = arith.andi %bitcast_convert_type3A, %and3A_49 : vector<2048x128xi32>
    %bitcast_convert_type3A_51 = tpu.bitcast %and3A_50 : vector<2048x128xi32> -> vector<2048x128xf32>
    %convert_element_type3A_52 = arith.truncf %bitcast_convert_type3A_51 : vector<2048x128xf32> to vector<2048x128xbf16>
    %get3A_53 = arith.constant 0 : index
    %get3A_54 = arith.constant 0 : index
    %get3A_55 = vector.load %arg3[%get3A_53, %get3A_54] : memref<2048x128xf32, #tpu.memory_space<vmem>>, vector<2048x128xf32>
    %convert_element_type3A_56 = arith.truncf %get3A_55 : vector<2048x128xf32> to vector<2048x128xbf16>
    %get3A_57 = arith.constant 0 : index
    %get3A_58 = arith.constant 0 : index
    %get3A_59 = vector.load %arg4[%get3A_57, %get3A_58] : memref<2048x128xf32, #tpu.memory_space<vmem>>, vector<2048x128xf32>
    %convert_element_type3A_60 = arith.truncf %get3A_59 : vector<2048x128xf32> to vector<2048x128xbf16>
    %concatenate3A = tpu.concatenate %convert_element_type3A_48, %convert_element_type3A_52, %convert_element_type3A_56, %convert_element_type3A_60, %convert_element_type3A_31, %convert_element_type3A_41 in 1 : vector<2048x128xbf16>, vector<2048x128xbf16>, vector<2048x128xbf16>, vector<2048x128xbf16>, vector<2048x64xbf16>, vector<2048x64xbf16> -> vector<2048x640xbf16>
    %get3A_61 = arith.constant 0 : index
    %get3A_62 = arith.constant 0 : index
    %get3A_63 = vector.load %arg11[%get3A_61, %get3A_62] : memref<640x512xf32, #tpu.memory_space<vmem>>, vector<640x512xf32>
    %convert_element_type3A_64 = arith.truncf %get3A_63 : vector<640x512xf32> to vector<640x512xbf16>
    %dot_general3A_65 = arith.constant dense<0.000000e+00> : vector<2048x512xf32>
    %dot_general3A_66 = tpu.matmul %concatenate3A, %convert_element_type3A_64, %dot_general3A_65 {dimension_numbers = #tpu.dot_dimension_numbers<[1], [0], [0], [1], [0, 0, 1, 1], [], []>, transpose_lhs_hint = false} : vector<2048x640xbf16>, vector<640x512xbf16>, vector<2048x512xf32> -> vector<2048x512xf32>
    %get3A_67 = arith.constant 0 : index
    %get3A_68 = arith.constant 0 : index
    %get3A_69 = vector.load %arg12[%get3A_67, %get3A_68] : memref<1x512xf32, #tpu.memory_space<vmem>>, vector<1x512xf32>
    %add3A_70 = vector.broadcast %get3A_69 : vector<1x512xf32> to vector<2048x512xf32>
    %add3A_71 = arith.addf %dot_general3A_66, %add3A_70 : vector<2048x512xf32>
    %mul3A_72 = arith.constant 0.707106769 : f32
    %mul3A_73 = vector.broadcast %mul3A_72 : f32 to vector<2048x512xf32>
    %mul3A_74 = arith.mulf %add3A_71, %mul3A_73 : vector<2048x512xf32>
    %erf3A_75 = math.erf %mul3A_74 : vector<2048x512xf32>
    %add3A_76 = arith.constant 1.000000e+00 : f32
    %add3A_77 = vector.broadcast %add3A_76 : f32 to vector<2048x512xf32>
    %add3A_78 = arith.addf %add3A_77, %erf3A_75 : vector<2048x512xf32>
    %mul3A_79 = arith.constant 5.000000e-01 : f32
    %mul3A_80 = vector.broadcast %mul3A_79 : f32 to vector<2048x512xf32>
    %mul3A_81 = arith.mulf %mul3A_80, %add3A_78 : vector<2048x512xf32>
    %mul3A_82 = arith.mulf %add3A_71, %mul3A_81 : vector<2048x512xf32>
    %convert_element_type3A_83 = arith.truncf %mul3A_82 : vector<2048x512xf32> to vector<2048x512xbf16>
    %get3A_84 = arith.constant 0 : index
    %get3A_85 = arith.constant 0 : index
    %get3A_86 = vector.load %arg13[%get3A_84, %get3A_85] : memref<512x512xf32, #tpu.memory_space<vmem>>, vector<512x512xf32>
    %convert_element_type3A_87 = arith.truncf %get3A_86 : vector<512x512xf32> to vector<512x512xbf16>
    %dot_general3A_88 = arith.constant dense<0.000000e+00> : vector<2048x512xf32>
    %dot_general3A_89 = tpu.matmul %convert_element_type3A_83, %convert_element_type3A_87, %dot_general3A_88 {dimension_numbers = #tpu.dot_dimension_numbers<[1], [0], [0], [1], [0, 0, 1, 1], [], []>, transpose_lhs_hint = false} : vector<2048x512xbf16>, vector<512x512xbf16>, vector<2048x512xf32> -> vector<2048x512xf32>
    %get3A_90 = arith.constant 0 : index
    %get3A_91 = arith.constant 0 : index
    %get3A_92 = vector.load %arg14[%get3A_90, %get3A_91] : memref<1x512xf32, #tpu.memory_space<vmem>>, vector<1x512xf32>
    %add3A_93 = vector.broadcast %get3A_92 : vector<1x512xf32> to vector<2048x512xf32>
    %add3A_94 = arith.addf %dot_general3A_89, %add3A_93 : vector<2048x512xf32>
    %swap3A = arith.constant 0 : index
    %swap3A_95 = arith.constant 0 : index
    %swap3A_96 = vector.load %arg15[%swap3A, %swap3A_95] : memref<2048x512xf32, #tpu.memory_space<vmem>>, vector<2048x512xf32>
    tpu.vector_store %arg15[%swap3A, %swap3A_95], %add3A_94 {strides = array<i32>} : memref<2048x512xf32, #tpu.memory_space<vmem>>, vector<2048x512xf32>,
    return
  }
  func.func @transform_0(%arg0: i32) -> (i32, i32) {
    %c0_i32 = arith.constant 0 : i32
    %c0_i32_0 = arith.constant 0 : i32
    return %arg0, %c0_i32 : i32, i32
  }
  func.func @transform_1(%arg0: i32) -> (i32, i32) {
    %c0_i32 = arith.constant 0 : i32
    %c0_i32_0 = arith.constant 0 : i32
    return %arg0, %c0_i32 : i32, i32
  }
  func.func @transform_2(%arg0: i32) -> (i32, i32) {
    %c0_i32 = arith.constant 0 : i32
    %c0_i32_0 = arith.constant 0 : i32
    return %arg0, %c0_i32 : i32, i32
  }
  func.func @transform_3(%arg0: i32) -> (i32, i32) {
    %c0_i32 = arith.constant 0 : i32
    %c0_i32_0 = arith.constant 0 : i32
    return %arg0, %c0_i32 : i32, i32
  }
  func.func @transform_4(%arg0: i32) -> (i32, i32) {
    %c0_i32 = arith.constant 0 : i32
    %c0_i32_0 = arith.constant 0 : i32
    return %arg0, %c0_i32 : i32, i32
  }
  func.func @transform_5(%arg0: i32) -> (i32, i32) {
    %c0_i32 = arith.constant 0 : i32
    %c0_i32_0 = arith.constant 0 : i32
    %c0_i32_1 = arith.constant 0 : i32
    return %c0_i32, %c0_i32_0 : i32, i32
  }
  func.func @transform_6(%arg0: i32) -> (i32, i32) {
    %c0_i32 = arith.constant 0 : i32
    %c0_i32_0 = arith.constant 0 : i32
    %c0_i32_1 = arith.constant 0 : i32
    return %c0_i32, %c0_i32_0 : i32, i32
  }
  func.func @transform_7(%arg0: i32) -> (i32, i32) {
    %c0_i32 = arith.constant 0 : i32
    %c0_i32_0 = arith.constant 0 : i32
    %c0_i32_1 = arith.constant 0 : i32
    return %c0_i32, %c0_i32_0 : i32, i32
  }
  func.func @transform_8(%arg0: i32) -> (i32, i32) {
    %c0_i32 = arith.constant 0 : i32
    %c0_i32_0 = arith.constant 0 : i32
    %c0_i32_1 = arith.constant 0 : i32
    return %c0_i32, %c0_i32_0 : i32, i32
  }
  func.func @transform_9(%arg0: i32) -> (i32, i32) {
    %c0_i32 = arith.constant 0 : i32
    %c0_i32_0 = arith.constant 0 : i32
    %c0_i32_1 = arith.constant 0 : i32
    return %c0_i32, %c0_i32_0 : i32, i32
  }
  func.func @transform_10(%arg0: i32) -> (i32, i32) {
    %c0_i32 = arith.constant 0 : i32
    %c0_i32_0 = arith.constant 0 : i32
    %c0_i32_1 = arith.constant 0 : i32
    return %c0_i32, %c0_i32_0 : i32, i32
  }
  func.func @transform_11(%arg0: i32) -> (i32, i32) {
    %c0_i32 = arith.constant 0 : i32
    %c0_i32_0 = arith.constant 0 : i32
    %c0_i32_1 = arith.constant 0 : i32
    return %c0_i32, %c0_i32_0 : i32, i32
  }
  func.func @transform_12(%arg0: i32) -> (i32, i32) {
    %c0_i32 = arith.constant 0 : i32
    %c0_i32_0 = arith.constant 0 : i32
    %c0_i32_1 = arith.constant 0 : i32
    return %c0_i32, %c0_i32_0 : i32, i32
  }
  func.func @transform_13(%arg0: i32) -> (i32, i32) {
    %c0_i32 = arith.constant 0 : i32
    %c0_i32_0 = arith.constant 0 : i32
    %c0_i32_1 = arith.constant 0 : i32
    return %c0_i32, %c0_i32_0 : i32, i32
  }
  func.func @transform_14(%arg0: i32) -> (i32, i32) {
    %c0_i32 = arith.constant 0 : i32
    %c0_i32_0 = arith.constant 0 : i32
    return %arg0, %c0_i32 : i32, i32
  }
}

</mosaic_0001>

<sc_bundles>
// kernel: kernel.4.cloned.1.call-start
scs
__scs_entry_jumppad:
0x0: {  	(pc) =	sbr.rel $0x88, $3  }
0x1: {  	(tag) =	ssettag $0x0;
	lr =	simm.s32 $0x1  }
0x2: {  	[smem:$0x3F90] =	sst lr;
	_ =	strace $0xD0000000  }
0x3: {  	_ = 	snop  }
0x4: {  	_ = 	snop  }
0x5: {  	_ = 	snop  }
0x6: {  	_ = 	snop  }
0x7: {  	_ = 	snop  }
__scs_overlays_trampoline_lowered:
0x8: {  	[smem:$0x3F9F] =	sst s0  }
0x9: {  	[smem:$0x3FA0] =	sst s1  }
0xa: {  	[smem:$0x3FA1] =	sst s2  }
0xb: {  	[smem:$0x3FA2] =	sst s3  }
0xc: {  	[smem:$0x3FA3] =	sst s4  }
0xd: {  	[smem:$0x3FA4] =	sst s5  }
0xe: {  	[smem:$0x3FA5] =	sst s6  }
0xf: {  	[smem:$0x3FA6] =	sst s7  }
0x10: {  	[smem:$0x3FA7] =	sst s8  }
0x11: {  	[smem:$0x3FA8] =	sst s9;
	s0 =	simm.s32 @!p0 $0x0  }
0x12: {  	s1 =	sld [smem:$0x3F8E];
	s0 =	simm.s32 @p0 $0x1  }
0x13: {  	[smem:$0x3FA9] =	sst s0;
	s0 =	simm.s32 @!p1 $0x0  }
0x14: {  	s2 =	sld [smem:$0x3F8D];
	s0 =	simm.s32 @p1 $0x1  }
0x15: {  	[smem:$0x3FAA] =	sst s0;
	s0 =	simm.s32 @!p2 $0x0  }
0x16: {  	s3 =	sld [smem:$0x3FDB];
	s0 =	simm.s32 @p2 $0x1  }
0x17: {  	s4 =	simm.s32 $0x1BF5;
	[smem:$0x3FAC] =	sst s0  }
0x18: {  	s0 =	sld [smem:$0x3F8F];
	_ =	swait.ge [sflag:s4], $0x0  }
0x19: {  	s7 =	sld [smem:$0x3F90]  }
0x1a: {  	s8 =	sadd.s32 $0xFFFFE003, lr  }
0x1b: {  	s9 =	sadd.s32 $0xFFFFFEF7, lr;
	s5 =	simm.s32 $0xFFFFFFFF;
	p2 =	slt.u32 s8, $0xFFFFF086  }
0x1c: {  	p1 =	slt.u32 s9, $0xF7A;
	s5 =	simm.s32 @!p2 $0x0  }
0x1d: {  	s5 =	simm.s32 @p1 $0x1;
	p0 =	seq.s32 s7, s2  }
0x1e: {  	s7 =	smul.u32 @!p0 $0xF7A, s2;
	p2 =	seq.s32 @!p0 s5, $0x0  }
0x1f: {  	s9 =	smul.u32 $0xF7A, s1;
	s8 =	simm.s32 @!p0 $0x1BF5;
	p2 =	por !p2, p0  }
0x20: {  	[sflag:s8] =	ssyncset.s32 @!p0 $0xFFFFF086;
	s6 =	sadd.s32 @!p0 s3, s7;
	s7 =	simm.s32 @!p0 $0x108  }
0x21: {  	s3 =	sadd.s32 s3, s9;
	s6 =	sadd.s32 @!p0 $0x88, s6;
	s7 =	simm.s32 @p2 $0x1082  }
0x22: {  	[simem:s7], [sflag:s8] =	dma.local @!p0 [hbm:s6], $0xF7A  }
0x23: {  	s9 =	sor.u32 $0xD0000000, s2;
	s6 =	simm.s32 $0x108;
	_ =	swait.ge @!p0 [sflag:s8], $0x0  }
0x24: {  	s3 =	sadd.s32 $0x88, s3;
	s6 =	simm.s32 @!p1 $0x1082;
	[sflag:s4] =	ssyncset.s32 $0xFFFFF086  }
0x25: {  	[simem:s6], [sflag:s4] =	dma.local [hbm:s3], $0xF7A  }
0x26: {  	[smem:$0x3F90] =	sst s1;
	(tag) =	ssettag s2;
	_ =	strace s9  }
0x27: {  	s1 =	sld [smem:$0x3FA0]  }
0x28: {  	s2 =	sld [smem:$0x3FA1]  }
0x29: {  	s4 =	sld [smem:$0x3FA3]  }
0x2a: {  	p0 =	seq.s32 s5, $0x0;
	s5 =	sld [smem:$0x3FA4]  }
0x2b: {  	s6 =	sld [smem:$0x3FA5]  }
0x2c: {  	s7 =	sld [smem:$0x3FA6]  }
0x2d: {  	s3 =	simm.s32 $0x108;
	s8 =	sld [smem:$0x3FA7]  }
0x2e: {  	s3 =	simm.s32 @!p0 $0x1082;
	s9 =	sld [smem:$0x3FA8]  }
0x2f: {  	lr =	sadd.s32 s0, s3;
	s0 =	sld [smem:$0x3F9F]  }
0x30: {  	s3 =	sld [smem:$0x3FA2]  }
0x31: {  	[smem:$0x3FAB] =	sst s10  }
0x32: {  	s10 =	sld [smem:$0x3FA9];
	_ =	sdelay $0x3  }
0x33: {  	p0 =	seq.s32 s10, $0x1;
	s10 =	sld [smem:$0x3FAB];
	_ =	sdelay $0x3  }
0x34: {  	[smem:$0x3FAB] =	sst s10  }
0x35: {  	s10 =	sld [smem:$0x3FAA];
	_ =	sdelay $0x3  }
0x36: {  	p1 =	seq.s32 s10, $0x1;
	s10 =	sld [smem:$0x3FAB];
	_ =	sdelay $0x3  }
0x37: {  	[smem:$0x3FAB] =	sst s10  }
0x38: {  	s10 =	sld [smem:$0x3FAC]  }
0x39: {  	_ = 	snop;
	(pc) =	sbr.ind lr, $3  }
0x3a: {  	_ = 	snop  }
0x3b: {  	_ = 	snop  }
0x3c: {  	p2 =	seq.s32 s10, $0x1;
	s10 =	sld [smem:$0x3FAB]  }
0x3d: {  	_ =	shalt  }
0x3e: {  	_ =	shalt  }
0x3f: {  	_ =	shalt  }
0x40: {  	_ =	shalt  }
0x41: {  	_ =	shalt  }
0x42: {  	_ =	shalt  }
0x43: {  	_ =	shalt  }
0x44: {  	_ =	shalt  }
0x45: {  	_ =	shalt  }
0x46: {  	_ =	shalt  }
0x47: {  	_ =	shalt  }
0x48: {  	_ =	shalt  }
0x49: {  	_ =	shalt  }
0x4a: {  	_ =	shalt  }
0x4b: {  	_ =	shalt  }
0x4c: {  	_ =	shalt  }
0x4d: {  	_ =	shalt  }
0x4e: {  	_ =	shalt  }
0x4f: {  	_ =	shalt  }
0x50: {  	_ =	shalt  }
0x51: {  	_ =	shalt  }
0x52: {  	_ =	shalt  }
0x53: {  	_ =	shalt  }
0x54: {  	_ =	shalt  }
0x55: {  	_ =	shalt  }
0x56: {  	_ =	shalt  }
0x57: {  	_ =	shalt  }
0x58: {  	_ =	shalt  }
0x59: {  	_ =	shalt  }
0x5a: {  	_ =	shalt  }
0x5b: {  	_ =	shalt  }
0x5c: {  	_ =	shalt  }
0x5d: {  	_ =	shalt  }
0x5e: {  	_ =	shalt  }
0x5f: {  	_ =	shalt  }
0x60: {  	_ =	shalt  }
0x61: {  	_ =	shalt  }
0x62: {  	_ =	shalt  }
0x63: {  	_ =	shalt  }
0x64: {  	_ =	shalt  }
0x65: {  	_ =	shalt  }
0x66: {  	_ =	shalt  }
0x67: {  	_ =	shalt  }
0x68: {  	_ =	shalt  }
0x69: {  	_ =	shalt  }
0x6a: {  	_ =	shalt  }
0x6b: {  	_ =	shalt  }
0x6c: {  	_ =	shalt  }
0x6d: {  	_ =	shalt  }
0x6e: {  	_ =	shalt  }
0x6f: {  	_ =	shalt  }
0x70: {  	_ =	shalt  }
0x71: {  	_ =	shalt  }
0x72: {  	_ =	shalt  }
0x73: {  	_ =	shalt  }
0x74: {  	_ =	shalt  }
0x75: {  	_ =	shalt  }
0x76: {  	_ =	shalt  }
0x77: {  	_ =	shalt  }
0x78: {  	_ =	shalt  }
0x79: {  	_ =	shalt  }
0x7a: {  	_ =	shalt  }
0x7b: {  	_ =	shalt  }
0x7c: {  	_ =	shalt  }
0x7d: {  	_ =	shalt  }
0x7e: {  	_ =	shalt  }
0x7f: {  	_ =	shalt  }
0x80: {  	_ =	shalt  }
0x81: {  	_ =	shalt  }
0x82: {  	_ =	shalt  }
0x83: {  	_ =	shalt  }
0x84: {  	_ =	shalt  }
0x85: {  	_ =	shalt  }
0x86: {  	_ =	shalt  }
0x87: {  	_ =	shalt  }
.Lfunc_end0:
.L_simem_size_0:
called_computation_lowered:
.L_overlay_start_0:
0x88: {  	s2 =	sld [smem:$0x3FD9]  }
0x89: {  	s3 =	sld [smem:$0x3FFE];
	_ =	sdelay $0x1  }
0x8a: {  	s1 =	srdreg.scid  }
0x8b: {  	s0 =	sand.u32 $0x1, s1  }
0x8c: {  	s17 =	sshll.u32 s0, $0xA;
	s2 =	sadd.s32 s3, s2  }
0x8d: {  	s2 =	sadd.s32 s2, s17  }
0x8e: {  	[smem:$0x3FB7] =	sst s2  }
0x8f: {  	_ = 	snop  }
0x90: {  	s2 =	sld [smem:$0x3FC9]  }
0x91: {  	s18 =	sld [smem:$0x3FC8]  }
0x92: {  	s4 =	sld [smem:$0x3FC7]  }
0x93: {  	s5 =	sld [smem:$0x3FC3]  }
0x94: {  	s6 =	sld [smem:$0x3FC2]  }
0x95: {  	s7 =	sld [smem:$0x3FD0];
	(tm) =	ssettm $0x1  }
0x96: {  	s8 =	sld [smem:$0x3FFB];
	_ =	sdelay $0x3  }
0x97: {  	_ =	strace s8  }
0x98: {  	s8 =	sld [smem:$0x3FFC];
	_ =	sdelay $0x3  }
0x99: {  	_ =	strace s8  }
0x9a: {  	s8 =	sld [smem:$0x3FFD];
	_ =	sdelay $0x3  }
0x9b: {  	_ =	strace s8  }
0x9c: {  	_ =	strace $0x8FFFFFFF  }
0x9d: {  	s19 =	sld [smem:$0x3FDB];
	_ =	sdelay $0x1  }
0x9e: {  	s9 =	simm.s32 $_scs_section_size  }
0x9f: {  	s10 =	simm.s32 $_size__tile_overlayer_lowered;
	s11 =	simm.s32 $_tile_overlayer_lowered  }
0xa0: {  	s22 =	simm.s32 $0x1BFF;
	s21 =	sshll.u32 s11, $0x1;
	s8 =	sadd.s32 s9, s19  }
0xa1: {  	s12 =	simm.s32 $0x0;
	s20 =	sshll.u32 s10, $0x1;
	s10 =	sadd.s32 s21, s8  }
0xa2: {  	[timem:s12], [sflag:s22] =	dma.local [hbm:s10], s20  }
0xa3: {  	_ =	swait.ge [sflag:s22], s20  }
0xa4: {  	s9 =	ssub.s32 $0x0, s20;
	[sflag:s22] =	ssyncset.done $0x0  }
0xa5: {  	[sflag:s22] =	ssyncadd.s32 s9;
	_ =	sdelay $0x1  }
0xa6: {  	s23 =	simm.s32 $0x1B8B  }
0xa7: {  	_ =	swait.ge [sflag:s23], $0x1  }
0xa8: {  	[sflag:s23] =	ssyncset.done $0x0  }
0xa9: {  	s25 =	simm.s32 $0x1B8E;
	s24 =	sld [smem:$0x3FFE];
	[sflag:s23] =	ssyncadd.s32 $0xFFFFFFFF  }
0xaa: {  	s26 =	simm.s32 $execute0_lowered;
	[smem:$0x3FD2] =	sst s25  }
0xab: {  	s10 =	sshll.u32 s26, $0x1;
	_ =	strace $0x80000046;
	[dreg:$0x1] =	wrdreg $0xFFFFFFFF  }
0xac: {  	s28 =	simm.s32 $_size_execute0_lowered;
	s8 =	sadd.s32 s8, s10;
	[dreg:$0x0] =	wrdreg $0x0  }
0xad: {  	s10 =	sshll.u32 s28, $0x1;
	[dreg:$0x2] =	wrdreg s8  }
0xae: {  	[dreg:$0x3] =	wrdreg s10  }
0xaf: {  	[dreg:$0x4] =	wrdreg $0xC0  }
0xb0: {  	_ =	task [dreg:s12], $0x5FFFF  }
0xb1: {  	[dreg:$0x1] =	wrdreg $0xFFFFFFFF  }
0xb2: {  	[dreg:$0x0] =	wrdreg $0x60  }
0xb3: {  	[dreg:$0x2] =	wrdreg s2  }
0xb4: {  	[dreg:$0x3] =	wrdreg s18  }
0xb5: {  	[dreg:$0x4] =	wrdreg s4  }
0xb6: {  	[dreg:$0x5] =	wrdreg s24  }
0xb7: {  	[dreg:$0x6] =	wrdreg s5  }
0xb8: {  	[dreg:$0x7] =	wrdreg s6  }
0xb9: {  	[dreg:$0x8] =	wrdreg s7  }
0xba: {  	[dreg:$0x9] =	wrdreg $0x9  }
0xbb: {  	_ =	task.clear_ibuf [dreg:s12], $0xAFFFF;
	_ =	strace $0x90000046  }
0xbc: {  	s29 =	simm.s32 $0x9;
	_ =	strace $0x80000048  }
0xbd: {  	_ =	swait.ge [sflag:s29], $0x1  }
0xbe: {  	[sflag:s29] =	ssyncadd.s32 $0xFFFFFFFF  }
0xbf: {  	_ =	strace $0x90000048  }
0xc0: {  	_ =	sfence  }
0xc1: {  	s30 =	sld [smem:$0x0];
	_ =	sdelay $0x2  }
0xc2: {  	s31 =	sshll.u32 s1, $0xD;
	s1 =	sshrl.u32 s1, $0x2  }
0xc3: {  	s3 =	sand.u32 $0x4000, s31;
	s1 =	sadd.s32 s1, s30  }
0xc4: {  	s0 =	sor.u32 s3, s0;
	s1 =	sshll.u32 s1, $0x11  }
0xc5: {  	s0 =	sor.u32 s1, s0  }
0xc6: {  	s0 =	sadd.s32 $0x8F2B, s0  }
0xc7: {  	[sflag:s0] =	ssyncadd.remote.s32 $0x1  }
0xc8: {  	_ =	sfence.sel $0xFFFF  }
0xc9: {  	[dreg:$0x0] =	wrdreg $0xFFFFFFFF;
	(pc) =	sbr.abs _section_cstart, $3  }
0xca: {  	[dreg:$0x1] =	wrdreg $0xFFFFFFFF  }
0xcb: {  	_ =	task.clear_ibuf [dreg:s12], $0x2FFFF;
	_ =	strace $0x9FFFFFFF  }
0xcc: {  	(tm) =	ssettm $0x7FFFFFFF  }
0xcd: {  	_ =	shalt  }
tec
execute0_lowered:
.L_overlay_start_1:
0x0: {  	(tag) =	ssettag $0x1  }
0x1: {  	s0 =	rddreg [dreg:$0x0]  }
0x2: {  	s3 =	rddreg [dreg:$0x1]  }
0x3: {  	s6 =	rddreg [dreg:$0x2]  }
0x4: {  	s7 =	rddreg [dreg:$0x3]  }
0x5: {  	s1 =	rddreg [dreg:$0x4]  }
0x6: {  	s2 =	rddreg [dreg:$0x5]  }
0x7: {  	s8 =	rddreg [dreg:$0x6]  }
0x8: {  	s4 =	simm.s32 $0x0;
	s5 =	srdreg.scid;
	s13 =	stileid.u32  }
0x9: {  	s17 =	simm.s32 $0x40;
	s18 =	simm.s32 $0x600;
	s19 =	simm.s32 $0x4600  }
0xa: {  	s28 =	simm.s32 $0x5;
	s29 =	simm.s32 $0x6;
	s30 =	simm.s32 $0x7  }
0xb: {  	[smem:$0x7FF] =	sst s4;
	s9 =	sand.u32 $0x1, s5;
	s10 =	sshll.u32 s13, $0xA  }
0xc: {  	s5 =	sadd.s32 $0x2200, s7;
	s20 =	sshll.u32 s13, $0xE;
	_ =	strace $0x80000047  }
0xd: {  	s11 =	sshll.u32 s9, $0x9;
	s12 =	ssub.s32 $0x2, s9;
	s7 =	sadd.s32 s20, s7  }
0xe: {  	s31 =	sadd.s32 s20, s8;
	s20 =	simm.s32 $0x8600;
	s10 =	sor.u32 s11, s10  }
0xf: {  	s21 =	sshrl.u32 s12, $0x1;
	s25 =	sadd.s32 $0x46200, s7;
	[dreg:$0xe] =	wrdreg s31  }
0x10: {  	s26 =	sadd.s32 $0x6200, s7;
	s10 =	sshrl.u32 s10, $0x3;
	[dreg:$0xc] =	wrdreg s25  }
0x11: {  	s12 =	ssub.s32 s12, s21;
	[dreg:$0xd] =	wrdreg s26;
	s0 =	sadd.s32 s0, s10  }
0x12: {  	s21 =	simm.s32 $0x2;
	s22 =	sadd.s32 s3, s10;
	[dreg:$0x8] =	wrdreg s0  }
0x13: {  	s25 =	simm.s32 $0x6600;
	s23 =	sadd.s32 s6, s10;
	[dreg:$0x9] =	wrdreg s22  }
0x14: {  	s26 =	simm.s32 $0xA600;
	s24 =	smax.u32 s12, $0x1;
	[dreg:$0xa] =	wrdreg s23  }
0x15: {  	s10 =	sshll.u32 s9, $0xD;
	s3 =	simm.s32 $0x0;
	[dreg:$0xb] =	wrdreg s24  }
0x16: {  	s22 =	simm.s32 $0x3;
	s23 =	simm.s32 $0x4;
	s24 =	simm.s32 $0x2600  }
.LBB2_1:
0x17: {  	[dreg:$0xf] =	wrdreg s3  }
0x18: {  	s0 =	rddreg [dreg:$0x8]  }
0x19: {  	[tilespmem:s4], [sflag:$0x1] =	stream.linear.gather [hbm4b:s0+s4], $0x200, $0x38;
	[tilespmem:$0xC600] =	vst v63  }
0x1a: {  	s8 =	rddreg [dreg:$0x9];
	s9 =	simm.s32 $0x200  }
0x1b: {  	[tilespmem:s9], [sflag:$0x1] =	stream.linear.gather [hbm4b:s8+s4], $0x200, $0x38;
	[tilespmem:$0xC600] =	vst v63  }
0x1c: {  	s11 =	rddreg [dreg:$0xa];
	s6 =	simm.s32 $0x400;
	s12 =	simm.s32 $0x1  }
0x1d: {  	[tilespmem:s6], [sflag:$0x1] =	stream.linear.gather [hbm4b:s11+s4], $0x200, $0x38;
	[tilespmem:$0xC600] =	vst v63  }
0x1e: {  	_ =	swait.ge [sflag:s12], $0x200  }
0x1f: {  	[sflag:s12] =	ssyncset.done $0x0  }
0x20: {  	[sflag:s12] =	ssyncadd.s32 $0xFFFFFE00  }
0x21: {  	_ =	swait.ge [sflag:s12], $0x200  }
0x22: {  	[sflag:s12] =	ssyncset.done $0x0  }
0x23: {  	[sflag:s12] =	ssyncadd.s32 $0xFFFFFE00  }
0x24: {  	_ =	swait.ge [sflag:s12], $0x200  }
0x25: {  	[sflag:s12] =	ssyncset.done $0x0  }
0x26: {  	p0 =	por $0x1, $0x1;
	[sflag:s12] =	ssyncadd.s32 $0xFFFFFE00  }
0x27: {  	[tilespmem:s18], [sflag:$0x2] =	stream.indirect.gather [hbm4b:s5+s17], $0x80, s4, s17, $0xb8;
	[tilespmem:$0xC600] =	vst v63  }
0x28: {  	p0 =	por p0, p0  }
0x29: {  	[tilespmem:s19], [sflag:$0x3] =	stream.indirect.gather [hbm4b:s1+s17], $0x80, s9, s17, $0xb8;
	[tilespmem:$0xC600] =	vst v63  }
0x2a: {  	s0 =	simm.s32 @!p0 $0x5  }
0x2b: {  	[tilespmem:s20], [sflag:$0x4] =	stream.indirect.gather [hbm4b:s2+s17], $0x80, s6, s17, $0xb8;
	[tilespmem:$0xC600] =	vst v63  }
0x2c: {  	_ =	swait.ge @!p0 [sflag:s0], $0x2000  }
0x2d: {  	[sflag:s0] =	ssyncset.done @!p0 $0x0  }
0x2e: {  	[sflag:s0] =	ssyncadd.s32 @!p0 $0xFFFFE000;
	s0 =	simm.s32 @!p0 $0x6  }
0x2f: {  	_ =	swait.ge @!p0 [sflag:s0], $0x2000  }
0x30: {  	[sflag:s0] =	ssyncset.done @!p0 $0x0  }
0x31: {  	[sflag:s0] =	ssyncadd.s32 @!p0 $0xFFFFE000;
	s0 =	simm.s32 @!p0 $0x7  }
0x32: {  	_ =	swait.ge @!p0 [sflag:s0], $0x2000  }
0x33: {  	[sflag:s0] =	ssyncset.done @!p0 $0x0  }
0x34: {  	[sflag:s0] =	ssyncadd.s32 @!p0 $0xFFFFE000  }
0x35: {  	_ =	swait.ge [sflag:s21], $0x2000  }
0x36: {  	[sflag:s21] =	ssyncset.done $0x0  }
0x37: {  	[sflag:s21] =	ssyncadd.s32 $0xFFFFE000  }
0x38: {  	_ =	swait.ge [sflag:s22], $0x2000  }
0x39: {  	[sflag:s22] =	ssyncset.done $0x0  }
0x3a: {  	[sflag:s22] =	ssyncadd.s32 $0xFFFFE000  }
0x3b: {  	_ =	swait.ge [sflag:s23], $0x2000  }
0x3c: {  	[sflag:s23] =	ssyncset.done $0x0  }
0x3d: {  	s13 =	simm.s32 $0x40;
	[sflag:s23] =	ssyncadd.s32 $0xFFFFE000  }
0x3e: {  	[tilespmem:s24], [sflag:$0x2] =	stream.indirect.gather [hbm4b:s5+s17], $0x80, s13, s17, $0xb8;
	[tilespmem:$0xC600] =	vst v63  }
0x3f: {  	s14 =	simm.s32 $0x240  }
0x40: {  	[tilespmem:s25], [sflag:$0x3] =	stream.indirect.gather [hbm4b:s1+s17], $0x80, s14, s17, $0xb8;
	[tilespmem:$0xC600] =	vst v63  }
0x41: {  	s15 =	simm.s32 $0x440;
	s13 =	rddreg [dreg:$0xe]  }
0x42: {  	[tilespmem:s26], [sflag:$0x4] =	stream.indirect.gather [hbm4b:s2+s17], $0x80, s15, s17, $0xb8;
	[tilespmem:$0xC600] =	vst v63  }
0x43: {  	s12 =	rddreg [dreg:$0xd];
	s16 =	sadd.s32 s13, s10  }
0x44: {  	[hbm4b:s16+s4] =	stream.linear.scatter [tilespmem:s18], [sflag:$0x5], $0x2000, $0x38;
	[tilespmem:$0xC600] =	vst v63  }
0x45: {  	s11 =	rddreg [dreg:$0xc];
	s31 =	sadd.s32 s12, s10  }
0x46: {  	[hbm4b:s31+s4] =	stream.linear.scatter [tilespmem:s19], [sflag:$0x6], $0x2000, $0x38;
	[tilespmem:$0xC600] =	vst v63  }
0x47: {  	s7 =	sadd.s32 s11, s10  }
0x48: {  	[hbm4b:s7+s4] =	stream.linear.scatter [tilespmem:s20], [sflag:$0x7], $0x2000, $0x38;
	[tilespmem:$0xC600] =	vst v63  }
0x49: {  	_ =	swait.ge [sflag:s28], $0x2000  }
0x4a: {  	[sflag:s28] =	ssyncset.done $0x0  }
0x4b: {  	[sflag:s28] =	ssyncadd.s32 $0xFFFFE000  }
0x4c: {  	_ =	swait.ge [sflag:s29], $0x2000  }
0x4d: {  	[sflag:s29] =	ssyncset.done $0x0  }
0x4e: {  	[sflag:s29] =	ssyncadd.s32 $0xFFFFE000  }
0x4f: {  	_ =	swait.ge [sflag:s30], $0x2000  }
0x50: {  	[sflag:s30] =	ssyncset.done $0x0  }
0x51: {  	[sflag:s30] =	ssyncadd.s32 $0xFFFFE000  }
0x52: {  	_ =	swait.ge [sflag:s21], $0x2000  }
0x53: {  	[sflag:s21] =	ssyncset.done $0x0  }
0x54: {  	[sflag:s21] =	ssyncadd.s32 $0xFFFFE000  }
0x55: {  	_ =	swait.ge [sflag:s22], $0x2000  }
0x56: {  	[sflag:s22] =	ssyncset.done $0x0  }
0x57: {  	[sflag:s22] =	ssyncadd.s32 $0xFFFFE000  }
0x58: {  	p0 =	por $0x0, $0x0;
	_ =	swait.ge [sflag:s23], $0x2000  }
0x59: {  	s6 =	simm.s32 @!p0 $0x600;
	[sflag:s23] =	ssyncset.done $0x0  }
0x5a: {  	s8 =	simm.s32 @!p0 $0x80;
	s9 =	simm.s32 @!p0 $0x40;
	[sflag:s23] =	ssyncadd.s32 $0xFFFFE000  }
0x5b: {  	[tilespmem:s6], [sflag:$0x2] =	stream.indirect.gather @!p0 [hbm4b:s5+s9], $0x80, s8, s9, $0xb8;
	[tilespmem:$0xC600] =	vst v63  }
0x5c: {  	s6 =	simm.s32 @!p0 $0x280;
	s8 =	simm.s32 @!p0 $0x4600  }
0x5d: {  	[tilespmem:s8], [sflag:$0x3] =	stream.indirect.gather @!p0 [hbm4b:s1+s9], $0x80, s6, s9, $0xb8;
	[tilespmem:$0xC600] =	vst v63  }
0x5e: {  	p6 =	por $0x0, $0x0;
	s6 =	simm.s32 @!p0 $0x480;
	s8 =	simm.s32 @!p0 $0x8600  }
0x5f: {  	[tilespmem:s8], [sflag:$0x4] =	stream.indirect.gather @!p0 [hbm4b:s2+s9], $0x80, s6, s9, $0xb8;
	[tilespmem:$0xC600] =	vst v63  }
0x60: {  	s3 =	sadd.s32 $0x400, s31;
	s0 =	sadd.s32 $0x400, s16;
	s8 =	simm.s32 $0x400  }
0x61: {  	[hbm4b:s0+s4] =	stream.linear.scatter [tilespmem:s24], [sflag:$0x5], $0x2000, $0x38;
	[tilespmem:$0xC600] =	vst v63  }
0x62: {  	p0 =	por p6, p6;
	s6 =	sadd.s32 $0x800, s13;
	s9 =	sadd.s32 $0x400, s7  }
0x63: {  	[hbm4b:s3+s4] =	stream.linear.scatter [tilespmem:s25], [sflag:$0x6], $0x2000, $0x38;
	[tilespmem:$0xC600] =	vst v63  }
0x64: {  	s7 =	sadd.s32 $0x800, s12;
	s0 =	simm.s32 $0x200;
	s3 =	sadd.s32 $0x800, s11  }
.LBB2_2:
0x65: {  	[hbm4b:s9+s4] =	stream.linear.scatter [tilespmem:s26], [sflag:$0x7], $0x2000, $0x38;
	[tilespmem:$0xC600] =	vst v63  }
0x66: {  	s14 =	smov.u32 s8  }
0x67: {  	s8 =	sadd.s32 $0x200, s8;
	s9 =	simm.s32 @!p0 $0x5;
	p2 =	seq.s32 s14, $0x0  }
0x68: {  	p1 =	sne.s32 s8, $0x800;
	_ =	swait.ge @!p0 [sflag:s9], $0x2000  }
0x69: {  	[sflag:s9] =	ssyncset.done @!p0 $0x0  }
0x6a: {  	[sflag:s9] =	ssyncadd.s32 @!p0 $0xFFFFE000;
	s9 =	simm.s32 @!p0 $0x6  }
0x6b: {  	_ =	swait.ge @!p0 [sflag:s9], $0x2000  }
0x6c: {  	[sflag:s9] =	ssyncset.done @!p0 $0x0  }
0x6d: {  	[sflag:s9] =	ssyncadd.s32 @!p0 $0xFFFFE000;
	s9 =	simm.s32 @!p0 $0x7  }
0x6e: {  	_ =	swait.ge @!p0 [sflag:s9], $0x2000  }
0x6f: {  	[sflag:s9] =	ssyncset.done @!p0 $0x0  }
0x70: {  	[sflag:s9] =	ssyncadd.s32 @!p0 $0xFFFFE000;
	p0 =	por p2, p2  }
0x71: {  	_ =	swait.ge [sflag:s21], $0x2000  }
0x72: {  	[sflag:s21] =	ssyncset.done $0x0  }
0x73: {  	[sflag:s21] =	ssyncadd.s32 $0xFFFFE000  }
0x74: {  	_ =	swait.ge [sflag:s22], $0x2000  }
0x75: {  	[sflag:s22] =	ssyncset.done $0x0  }
0x76: {  	[sflag:s22] =	ssyncadd.s32 $0xFFFFE000  }
0x77: {  	_ =	swait.ge [sflag:s23], $0x2000  }
0x78: {  	s9 =	sshra.s32 s0, $0x2;
	[sflag:s23] =	ssyncset.done $0x0  }
0x79: {  	s11 =	sadd.s32 $0x40, s9;
	[sflag:s23] =	ssyncadd.s32 $0xFFFFE000  }
0x7a: {  	[tilespmem:s24], [sflag:$0x2] =	stream.indirect.gather [hbm4b:s5+s17], $0x80, s11, s17, $0xb8;
	[tilespmem:$0xC600] =	vst v63  }
0x7b: {  	s11 =	sadd.s32 $0x240, s9  }
0x7c: {  	[tilespmem:s25], [sflag:$0x3] =	stream.indirect.gather [hbm4b:s1+s17], $0x80, s11, s17, $0xb8;
	[tilespmem:$0xC600] =	vst v63  }
0x7d: {  	s9 =	sadd.s32 $0x440, s9  }
0x7e: {  	[tilespmem:s26], [sflag:$0x4] =	stream.indirect.gather [hbm4b:s2+s17], $0x80, s9, s17, $0xb8;
	[tilespmem:$0xC600] =	vst v63  }
0x7f: {  	s15 =	sadd.s32 s6, s10  }
0x80: {  	[hbm4b:s15+s4] =	stream.linear.scatter [tilespmem:s18], [sflag:$0x5], $0x2000, $0x38;
	[tilespmem:$0xC600] =	vst v63  }
0x81: {  	s11 =	sadd.s32 s7, s10  }
0x82: {  	[hbm4b:s11+s4] =	stream.linear.scatter [tilespmem:s19], [sflag:$0x6], $0x2000, $0x38;
	[tilespmem:$0xC600] =	vst v63  }
0x83: {  	s9 =	sadd.s32 s3, s10  }
0x84: {  	[hbm4b:s9+s4] =	stream.linear.scatter [tilespmem:s20], [sflag:$0x7], $0x2000, $0x38;
	[tilespmem:$0xC600] =	vst v63  }
0x85: {  	_ =	swait.ge [sflag:s28], $0x2000  }
0x86: {  	[sflag:s28] =	ssyncset.done $0x0  }
0x87: {  	[sflag:s28] =	ssyncadd.s32 $0xFFFFE000  }
0x88: {  	_ =	swait.ge [sflag:s29], $0x2000  }
0x89: {  	[sflag:s29] =	ssyncset.done $0x0  }
0x8a: {  	[sflag:s29] =	ssyncadd.s32 $0xFFFFE000  }
0x8b: {  	_ =	swait.ge [sflag:s30], $0x2000  }
0x8c: {  	[sflag:s30] =	ssyncset.done $0x0  }
0x8d: {  	[sflag:s30] =	ssyncadd.s32 $0xFFFFE000  }
0x8e: {  	_ =	swait.ge [sflag:s21], $0x2000  }
0x8f: {  	[sflag:s21] =	ssyncset.done $0x0  }
0x90: {  	[sflag:s21] =	ssyncadd.s32 $0xFFFFE000  }
0x91: {  	_ =	swait.ge [sflag:s22], $0x2000  }
0x92: {  	[sflag:s22] =	ssyncset.done $0x0  }
0x93: {  	[sflag:s22] =	ssyncadd.s32 $0xFFFFE000  }
0x94: {  	p2 =	seq.s32 s0, $0x600;
	_ =	swait.ge [sflag:s23], $0x2000  }
0x95: {  	s0 =	sshra.s32 @!p2 s0, $0x2;
	s12 =	simm.s32 @!p2 $0x600;
	[sflag:s23] =	ssyncset.done $0x0  }
0x96: {  	s16 =	simm.s32 @!p2 $0x40;
	s13 =	sadd.s32 @!p2 $0x80, s0;
	[sflag:s23] =	ssyncadd.s32 $0xFFFFE000  }
0x97: {  	[tilespmem:s12], [sflag:$0x2] =	stream.indirect.gather @!p2 [hbm4b:s5+s16], $0x80, s13, s16, $0xb8;
	[tilespmem:$0xC600] =	vst v63  }
0x98: {  	s31 =	sadd.s32 @!p2 $0x480, s0;
	s12 =	sadd.s32 @!p2 $0x280, s0;
	s13 =	simm.s32 @!p2 $0x4600  }
0x99: {  	[tilespmem:s13], [sflag:$0x3] =	stream.indirect.gather @!p2 [hbm4b:s1+s16], $0x80, s12, s16, $0xb8;
	[tilespmem:$0xC600] =	vst v63  }
0x9a: {  	s0 =	smov.u32 s14;
	s12 =	simm.s32 @!p2 $0x8600  }
0x9b: {  	[tilespmem:s12], [sflag:$0x4] =	stream.indirect.gather @!p2 [hbm4b:s2+s16], $0x80, s31, s16, $0xb8;
	[tilespmem:$0xC600] =	vst v63  }
.Ltmp0:
0x9c: {  	s12 =	sadd.s32 $0x400, s15;
	(pc) =	sbr.rel @p1 .LBB2_2-.Ltmp0, $4  }
0x9d: {  	[hbm4b:s12+s4] =	stream.linear.scatter [tilespmem:s24], [sflag:$0x5], $0x2000, $0x38;
	[tilespmem:$0xC600] =	vst v63  }
0x9e: {  	s6 =	sadd.s32 $0x800, s6;
	s11 =	sadd.s32 $0x400, s11  }
0x9f: {  	[hbm4b:s11+s4] =	stream.linear.scatter [tilespmem:s25], [sflag:$0x6], $0x2000, $0x38;
	[tilespmem:$0xC600] =	vst v63  }
0xa0: {  	s7 =	sadd.s32 $0x800, s7;
	s3 =	sadd.s32 $0x800, s3;
	s9 =	sadd.s32 $0x400, s9  }
0xa1: {  	[hbm4b:s9+s4] =	stream.linear.scatter [tilespmem:s26], [sflag:$0x7], $0x2000, $0x38;
	[tilespmem:$0xC600] =	vst v63  }
0xa2: {  	s8 =	simm.s32 @!p0 $0x5  }
0xa3: {  	_ =	swait.ge @!p0 [sflag:s8], $0x2000  }
0xa4: {  	[sflag:s8] =	ssyncset.done @!p0 $0x0  }
0xa5: {  	[sflag:s8] =	ssyncadd.s32 @!p0 $0xFFFFE000;
	s8 =	simm.s32 @!p0 $0x6  }
0xa6: {  	_ =	swait.ge @!p0 [sflag:s8], $0x2000  }
0xa7: {  	[sflag:s8] =	ssyncset.done @!p0 $0x0  }
0xa8: {  	[sflag:s8] =	ssyncadd.s32 @!p0 $0xFFFFE000;
	s8 =	simm.s32 @!p0 $0x7  }
0xa9: {  	_ =	swait.ge @!p0 [sflag:s8], $0x2000  }
0xaa: {  	[sflag:s8] =	ssyncset.done @!p0 $0x0  }
0xab: {  	[sflag:s8] =	ssyncadd.s32 @!p0 $0xFFFFE000  }
0xac: {  	_ =	swait.ge [sflag:s21], $0x2000  }
0xad: {  	[sflag:s21] =	ssyncset.done $0x0  }
0xae: {  	[sflag:s21] =	ssyncadd.s32 $0xFFFFE000  }
0xaf: {  	_ =	swait.ge [sflag:s22], $0x2000  }
0xb0: {  	[sflag:s22] =	ssyncset.done $0x0  }
0xb1: {  	[sflag:s22] =	ssyncadd.s32 $0xFFFFE000  }
0xb2: {  	_ =	swait.ge [sflag:s23], $0x2000  }
0xb3: {  	s31 =	sshra.s32 s0, $0x2;
	[sflag:s23] =	ssyncset.done $0x0  }
0xb4: {  	s11 =	sadd.s32 $0x40, s31;
	[sflag:s23] =	ssyncadd.s32 $0xFFFFE000  }
0xb5: {  	[tilespmem:s24], [sflag:$0x2] =	stream.indirect.gather [hbm4b:s5+s17], $0x80, s11, s17, $0xb8;
	[tilespmem:$0xC600] =	vst v63  }
0xb6: {  	s12 =	sadd.s32 $0x240, s31  }
0xb7: {  	[tilespmem:s25], [sflag:$0x3] =	stream.indirect.gather [hbm4b:s1+s17], $0x80, s12, s17, $0xb8;
	[tilespmem:$0xC600] =	vst v63  }
0xb8: {  	s8 =	sadd.s32 $0x440, s31  }
0xb9: {  	[tilespmem:s26], [sflag:$0x4] =	stream.indirect.gather [hbm4b:s2+s17], $0x80, s8, s17, $0xb8;
	[tilespmem:$0xC600] =	vst v63  }
0xba: {  	s6 =	sadd.s32 s6, s10  }
0xbb: {  	[hbm4b:s6+s4] =	stream.linear.scatter [tilespmem:s18], [sflag:$0x5], $0x2000, $0x38;
	[tilespmem:$0xC600] =	vst v63  }
0xbc: {  	s7 =	sadd.s32 s7, s10  }
0xbd: {  	[hbm4b:s7+s4] =	stream.linear.scatter [tilespmem:s19], [sflag:$0x6], $0x2000, $0x38;
	[tilespmem:$0xC600] =	vst v63  }
0xbe: {  	s3 =	sadd.s32 s3, s10  }
0xbf: {  	[hbm4b:s3+s4] =	stream.linear.scatter [tilespmem:s20], [sflag:$0x7], $0x2000, $0x38;
	[tilespmem:$0xC600] =	vst v63  }
0xc0: {  	_ =	swait.ge [sflag:s28], $0x2000  }
0xc1: {  	[sflag:s28] =	ssyncset.done $0x0  }
0xc2: {  	[sflag:s28] =	ssyncadd.s32 $0xFFFFE000  }
0xc3: {  	_ =	swait.ge [sflag:s29], $0x2000  }
0xc4: {  	[sflag:s29] =	ssyncset.done $0x0  }
0xc5: {  	[sflag:s29] =	ssyncadd.s32 $0xFFFFE000  }
0xc6: {  	_ =	swait.ge [sflag:s30], $0x2000  }
0xc7: {  	[sflag:s30] =	ssyncset.done $0x0  }
0xc8: {  	[sflag:s30] =	ssyncadd.s32 $0xFFFFE000  }
0xc9: {  	_ =	swait.ge [sflag:s21], $0x2000  }
0xca: {  	[sflag:s21] =	ssyncset.done $0x0  }
0xcb: {  	[sflag:s21] =	ssyncadd.s32 $0xFFFFE000  }
0xcc: {  	_ =	swait.ge [sflag:s22], $0x2000  }
0xcd: {  	[sflag:s22] =	ssyncset.done $0x0  }
0xce: {  	p0 =	seq.s32 s0, $0x600;
	[sflag:s22] =	ssyncadd.s32 $0xFFFFE000  }
0xcf: {  	s0 =	sshra.s32 @!p0 s0, $0x2;
	_ =	swait.ge [sflag:s23], $0x2000  }
0xd0: {  	s9 =	sadd.s32 @!p0 $0x80, s0;
	[sflag:s23] =	ssyncset.done $0x0  }
0xd1: {  	s11 =	simm.s32 @!p0 $0x40;
	s8 =	simm.s32 @!p0 $0x600;
	[sflag:s23] =	ssyncadd.s32 $0xFFFFE000  }
0xd2: {  	[tilespmem:s8], [sflag:$0x2] =	stream.indirect.gather @!p0 [hbm4b:s5+s11], $0x80, s9, s11, $0xb8;
	[tilespmem:$0xC600] =	vst v63  }
0xd3: {  	s8 =	sadd.s32 @!p0 $0x280, s0;
	s9 =	simm.s32 @!p0 $0x4600  }
0xd4: {  	[tilespmem:s9], [sflag:$0x3] =	stream.indirect.gather @!p0 [hbm4b:s1+s11], $0x80, s8, s11, $0xb8;
	[tilespmem:$0xC600] =	vst v63  }
0xd5: {  	s0 =	sadd.s32 @!p0 $0x480, s0;
	s8 =	simm.s32 @!p0 $0x8600  }
0xd6: {  	[tilespmem:s8], [sflag:$0x4] =	stream.indirect.gather @!p0 [hbm4b:s2+s11], $0x80, s0, s11, $0xb8;
	[tilespmem:$0xC600] =	vst v63  }
0xd7: {  	s13 =	sadd.s32 $0x400, s6  }
0xd8: {  	[hbm4b:s13+s4] =	stream.linear.scatter [tilespmem:s24], [sflag:$0x5], $0x2000, $0x38;
	[tilespmem:$0xC600] =	vst v63  }
0xd9: {  	s14 =	sadd.s32 $0x400, s7  }
0xda: {  	[hbm4b:s14+s4] =	stream.linear.scatter [tilespmem:s25], [sflag:$0x6], $0x2000, $0x38;
	[tilespmem:$0xC600] =	vst v63  }
0xdb: {  	s15 =	sadd.s32 $0x400, s3  }
0xdc: {  	[hbm4b:s15+s4] =	stream.linear.scatter [tilespmem:s26], [sflag:$0x7], $0x2000, $0x38;
	[tilespmem:$0xC600] =	vst v63  }
0xdd: {  	_ =	swait.ge [sflag:s28], $0x2000  }
0xde: {  	[sflag:s28] =	ssyncset.done $0x0  }
0xdf: {  	[sflag:s28] =	ssyncadd.s32 $0xFFFFE000  }
0xe0: {  	_ =	swait.ge [sflag:s29], $0x2000  }
0xe1: {  	[sflag:s29] =	ssyncset.done $0x0  }
0xe2: {  	[sflag:s29] =	ssyncadd.s32 $0xFFFFE000  }
0xe3: {  	_ =	swait.ge [sflag:s30], $0x2000  }
0xe4: {  	s16 =	rddreg [dreg:$0xf]  }
0xe5: {  	s31 =	rddreg [dreg:$0xb];
	s3 =	sadd.s32 $0x1, s16  }
0xe6: {  	p0 =	sne.s32 s3, s31  }
.Ltmp1:
0xe7: {  	_ = 	snop;
	(pc) =	sbr.rel @p0 .LBB2_1-.Ltmp1, $3  }
0xe8: {  	_ =	sdelay $0x1  }
0xe9: {  	[sflag:s30] =	ssyncset.done $0x0  }
0xea: {  	[sflag:s30] =	ssyncadd.s32 $0xFFFFE000  }
0xeb: {  	_ =	sfence.sel $0x180000  }
0xec: {  	[bflag:$0x0] =	sbarrier.arrive $0xFFFF  }
0xed: {  	_ =	strace $0x90000047  }
0xee: {  	s0 =	stileid.u32;
	[bflag:$0x2] =	sbarrier.arrive $0xFFFF  }
0xef: {  	p0 =	sne.s32 s0, $0x0;
	s0 =	rddreg [dreg:$0x7]  }
0xf0: {  	s0 =	sadd.s32 @!p0 $0x100000, s0  }
0xf1: {  	[sflag:s0] =	ssyncadd.tile.s32 @!p0 $0x1;
	_ =	shalt  }
.Lfunc_end2:
_tile_overlayer_lowered:
.L_overlay_start_2:
0xf2: {  	(tag) =	ssettag $0x2  }
0xf3: {  	s0 =	rddreg [dreg:$0x0];
	s2 =	stileid.u32  }
0xf4: {  	s1 =	rddreg [dreg:$0x1];
	p0 =	sne.s32 s2, $0x0  }
0xf5: {  	s3 =	rddreg [dreg:$0x2];
	[bflag:$0x3] =	sbarrier.arrive $0xFFFF;
	s2 =	simm.s32 @!p0 $0x1C08  }
0xf6: {  	[timem:s3], [sflag:s2] =	dma.local @!p0 [hbm:s0], s1  }
0xf7: {  	s0 =	simm.s32 @!p0 $0x8  }
0xf8: {  	_ =	swait.ge @!p0 [sflag:s0], s1  }
0xf9: {  	s1 =	ssub.s32 @!p0 $0x0, s1;
	[sflag:s0] =	ssyncset.done @!p0 $0x0  }
0xfa: {  	[sflag:s0] =	ssyncadd.s32 @!p0 s1  }
0xfb: {  	[bflag:$0x3] =	sbarrier.arrive $0xFFFF  }
0xfc: {  	_ =	shalt  }

</sc_bundles>
